<compile_context>
chip_gen: v7x
topology: tpu7x:2x2x1
jax: 0.10.2.dev20260603
libtpu: 0.0.44.dev20260713+nightly
codegen_flags: <defaults>
</compile_context>

<pallas_src>
import functools

import jax
import jax.numpy as jnp
from jax import lax
from jax.experimental import pallas as pl
from jax.experimental.pallas import tpu as pltpu
from jax.experimental.pallas import tpu_sc as plsc

BN = 512
BK = 2048


def _mlp_body(relu, out_bf16, a_ref, w_ref, b_ref, o_ref):
    a = a_ref[...].astype(jnp.bfloat16)
    w = w_ref[...].astype(jnp.bfloat16)
    o = jnp.dot(a, w, preferred_element_type=jnp.float32) + b_ref[...][None, :]
    if relu:
        o = jnp.maximum(o, 0.0)
    o_ref[...] = o.astype(jnp.bfloat16) if out_bf16 else o


def _mlp_layer(a, w, b, relu, out_bf16):
    n, kdim = a.shape
    m = w.shape[1]
    return pl.pallas_call(
        functools.partial(_mlp_body, relu, out_bf16),
        grid=(n // BN,),
        in_specs=[
            pl.BlockSpec((BN, kdim), lambda i: (i, 0)),
            pl.BlockSpec((kdim, m), lambda i: (0, 0)),
            pl.BlockSpec((m,), lambda i: (0,)),
        ],
        out_specs=pl.BlockSpec((BN, m), lambda i: (i, 0)),
        out_shape=jax.ShapeDtypeStruct((n, m), jnp.bfloat16 if out_bf16
                                       else jnp.float32),
    )(a, w, b)


def _vq_body(z_ref, cb_ref, idx_ref):
    z = z_ref[...]
    zb = z.astype(jnp.bfloat16)
    z2 = jnp.sum(z * z, axis=1, keepdims=True)
    k_tiles = cb_ref.shape[0] // BK
    iota = lax.broadcasted_iota(jnp.int32, (BN, BK), 1)

    def kbody(kt, carry):
        mv, mi = carry
        cb_f = cb_ref[pl.ds(kt * BK, BK), :]
        c2_t = jnp.sum(cb_f * cb_f, axis=1)[None, :]
        cb_t = cb_f.astype(jnp.bfloat16)
        cross = lax.dot_general(zb, cb_t, (((1,), (1,)), ((), ())),
                                preferred_element_type=jnp.float32)
        d = (z2 + c2_t) - 2.0 * cross
        tmin = jnp.min(d, axis=1, keepdims=True)
        gidx = iota + kt * BK
        tidx = jnp.min(jnp.where(d == tmin, gidx, jnp.int32(2 ** 30)),
                       axis=1, keepdims=True)
        upd = tmin < mv
        return jnp.where(upd, tmin, mv), jnp.where(upd, tidx, mi)

    mv0 = jnp.full((BN, 1), jnp.inf, jnp.float32)
    mi0 = jnp.zeros((BN, 1), jnp.int32)
    _, mi = lax.fori_loop(0, k_tiles, kbody, (mv0, mi0))
    idx_ref[...] = mi[:, 0]


def _vq_argmin(z, codebook):
    n = z.shape[0]
    k, d_code = codebook.shape
    return pl.pallas_call(
        _vq_body,
        grid=(n // BN,),
        in_specs=[
            pl.BlockSpec((BN, d_code), lambda i: (i, 0)),
            pl.BlockSpec((k, d_code), lambda i: (0, 0)),
        ],
        out_specs=pl.BlockSpec((BN,), lambda i: (i,)),
        out_shape=jax.ShapeDtypeStruct((n,), jnp.int32),
    )(z, codebook)


def _sc_gather(table, idx):
    v, d = table.shape
    b = idx.shape[0]
    info = plsc.get_sparse_core_info()
    nw = info.num_cores * info.num_subcores
    b_per_w = b // nw
    ch = 256
    nch = b_per_w // ch
    mesh = plsc.VectorSubcoreMesh(core_axis_name="c", subcore_axis_name="s")

    @functools.partial(
        pl.kernel, mesh=mesh,
        out_type=jax.ShapeDtypeStruct((b, d), jnp.float32),
        scratch_types=[
            pltpu.VMEM((b_per_w,), jnp.int32),
            pltpu.VMEM((ch, d), jnp.float32),
            pltpu.SemaphoreType.DMA,
        ],
    )
    def k(table_hbm, idx_hbm, out_hbm, idx_v, rows_v, sem):
        wid = lax.axis_index("s") * info.num_cores + lax.axis_index("c")
        base = wid * b_per_w
        pltpu.sync_copy(idx_hbm.at[pl.ds(base, b_per_w)], idx_v)
        for c in range(nch):
            pltpu.async_copy(
                table_hbm.at[idx_v.at[pl.ds(c * ch, ch)]], rows_v, sem).wait()
            pltpu.sync_copy(rows_v, out_hbm.at[pl.ds(base + c * ch, ch)])

    return k(table, idx)


def _dec_body(z_ref, q_ref, w3_ref, b3_ref, w4_ref, b4_ref,
              recon_ref, loss_ref):
    i = pl.program_id(0)
    q = q_ref[...]
    h = jnp.dot(q.astype(jnp.bfloat16), w3_ref[...].astype(jnp.bfloat16),
                preferred_element_type=jnp.float32)
    h = jnp.maximum(h + b3_ref[...][None, :], 0.0)
    r = jnp.dot(h.astype(jnp.bfloat16), w4_ref[...].astype(jnp.bfloat16),
                preferred_element_type=jnp.float32)
    recon_ref[...] = r + b4_ref[...][None, :]
    diff = z_ref[...] - q
    part = jnp.sum(diff * diff)

    @pl.when(i == 0)
    def _():
        loss_ref[0, 0] = 0.0

    loss_ref[0, 0] += part


def _dec(z, q, W3, b3, W4, b4):
    n, d_code = z.shape
    h = W3.shape[1]
    d_out = W4.shape[1]
    return pl.pallas_call(
        _dec_body,
        grid=(n // BN,),
        in_specs=[
            pl.BlockSpec((BN, d_code), lambda i: (i, 0)),
            pl.BlockSpec((BN, d_code), lambda i: (i, 0)),
            pl.BlockSpec((d_code, h), lambda i: (0, 0)),
            pl.BlockSpec((h,), lambda i: (0,)),
            pl.BlockSpec((h, d_out), lambda i: (0, 0)),
            pl.BlockSpec((d_out,), lambda i: (0,)),
        ],
        out_specs=[
            pl.BlockSpec((BN, d_out), lambda i: (i, 0)),
            pl.BlockSpec(memory_space=pltpu.SMEM),
        ],
        out_shape=[
            jax.ShapeDtypeStruct((n, d_out), jnp.float32),
            jax.ShapeDtypeStruct((1, 1), jnp.float32),
        ],
    )(z, q, W3, b3, W4, b4)


def kernel(x, W1, b1, W2, b2, codebook, W3, b3, W4, b4):
    bsz, t, d_in = x.shape
    n = bsz * t
    d_code = codebook.shape[1]
    xf = x.reshape(n, d_in)
    hb = _mlp_layer(xf, W1, b1, relu=True, out_bf16=True)
    z = _mlp_layer(hb, W2, b2, relu=False, out_bf16=False)
    idx = _vq_argmin(z, codebook)
    q = _sc_gather(codebook, idx)
    recon_f, loss = _dec(z, q, W3, b3, W4, b4)
    recon = recon_f.reshape(bsz, t, d_in)
    commit_loss = loss[0, 0] / jnp.float32(n * d_code)
    return recon, idx.reshape(bsz, t), commit_loss

# --- scband reference (transcript-rebuilt; emitter-appended) ---
"""Pipeline reference for scband-decision-vqvae-1116691497625 (READ-ONLY COPY).

The authoritative reference and input builder live on the scoring server;
editing this copy changes nothing except your own understanding.
"""

import jax, jax.numpy as jnp
import numpy as np


def setup_inputs(seed: int = 0) -> dict:
    key = jax.random.key(seed)
    ks = jax.random.split(key, 6)
    B, T, D_in, H, D_code, K = 32, 1024, 768, 512, 256, 8192

    def lin(k, i, o):
        return jax.random.normal(k, (i, o), dtype=jnp.float32) * (1.0 / np.sqrt(i))

    return {
        "x": jax.random.normal(ks[0], (B, T, D_in), dtype=jnp.float32),
        "W1": lin(ks[1], D_in, H),
        "b1": jnp.zeros((H,), jnp.float32),
        "W2": lin(ks[2], H, D_code),
        "b2": jnp.zeros((D_code,), jnp.float32),
        "codebook": jax.random.normal(ks[3], (K, D_code), dtype=jnp.float32),
        "W3": lin(ks[4], D_code, H),
        "b3": jnp.zeros((H,), jnp.float32),
        "W4": lin(ks[5], H, D_in),
        "b4": jnp.zeros((D_in,), jnp.float32),
    }


def reference(x, W1, b1, W2, b2, codebook, W3, b3, W4, b4):
    # encoder: Linear(768->512) -> ReLU -> Linear(512->256)
    z = jnp.maximum(x @ W1 + b1, 0.0) @ W2 + b2
    # VectorQuantize: nearest codebook entry by squared L2 distance
    z2 = jnp.sum(z * z, axis=-1, keepdims=True)            # [B, T, 1]
    c2 = jnp.sum(codebook * codebook, axis=-1)             # [K]
    dists = z2 + c2 - 2.0 * (z @ codebook.T)               # [B, T, K]
    indices = jnp.argmin(dists, axis=-1)                   # [B, T] int
    q_hard = jnp.take(codebook, indices, axis=0)           # gather [B, T, D_code]
    # commitment loss (commitment_weight = 1.0)
    commit_loss = jnp.mean((z - jax.lax.stop_gradient(q_hard)) ** 2)
    # straight-through estimator
    quantized = z + jax.lax.stop_gradient(q_hard - z)
    # decoder: Linear(256->512) -> ReLU -> Linear(512->768)
    recon = jnp.maximum(quantized @ W3 + b3, 0.0) @ W4 + b4
    return (recon, indices, commit_loss)

if __name__ == "__main__":
    import jax
    _d = setup_inputs()
    print(jax.jit(kernel)(*tuple(_d.values())))

</pallas_src>

<mosaic_0001>
#map = affine_map<(d0, d1) -> (0, 0)>
#map1 = affine_map<(d0, d1) -> (0)>
module attributes {stable_mosaic.version = 14 : i64} {
  func.func @k(%arg0: i32, %arg1: i32, %arg2: memref<8192x256xf32, #tpu.memory_space<hbm>>, %arg3: memref<32768xi32, #tpu.memory_space<hbm>>, %arg4: memref<32768x256xf32, #tpu.memory_space<hbm>>, %arg5: memref<1024xi32, #tpu.memory_space<vmem>>, %arg6: memref<256x256xf32, #tpu.memory_space<vmem>>, %arg7: memref<!tpu.dma_semaphore, #tpu.memory_space<semaphore_mem>>) attributes {dimension_semantics = [#tpu.dimension_semantics<core_parallel>, #tpu.dimension_semantics<subcore_parallel>], iteration_bounds = array<i64: 2, 16>, scalar_prefetch = 0 : i64, scratch_operands = 3 : i64, tpu.core_type = #tpu.core_type<sc_vector_subcore>, window_params = [{transform_indices = #map}, {transform_indices = #map1}, {transform_indices = #map}]} {
    %mul3A = arith.constant 2 : i32
    %mul3A_0 = arith.muli %arg1, %mul3A : i32
    %add3A = arith.addi %mul3A_0, %arg0 : i32
    %mul3A_1 = arith.constant 1024 : i32
    %mul3A_2 = arith.muli %add3A, %mul3A_1 : i32
    "tpu.region"() ({
      %run_scoped3A = tpu.sem_alloc : memref<!tpu.dma_semaphore, #tpu.memory_space<semaphore_mem>>
      %dma_start3A_49 = tpu.memref_slice %arg3[%mul3A_2] : memref<32768xi32, #tpu.memory_space<hbm>> -> memref<1024xi32, #tpu.memory_space<hbm>>
      %dma_start3A_50 = tpu.memref_slice %arg3[%mul3A_2] : memref<32768xi32, #tpu.memory_space<hbm>> -> memref<1024xi32, #tpu.memory_space<hbm>>
      tpu.enqueue_dma source(%dma_start3A_50 : memref<1024xi32, #tpu.memory_space<hbm>>) target(%arg5 : memref<1024xi32, #tpu.memory_space<vmem>>) target_semaphore(%run_scoped3A : memref<!tpu.dma_semaphore, #tpu.memory_space<semaphore_mem>>)
      %dma_wait3A_51 = tpu.memref_slice %arg3[%mul3A_2] : memref<32768xi32, #tpu.memory_space<hbm>> -> memref<1024xi32, #tpu.memory_space<hbm>>
      %dma_wait3A_52 = tpu.memref_slice %arg3[%mul3A_2] : memref<32768xi32, #tpu.memory_space<hbm>> -> memref<1024xi32, #tpu.memory_space<hbm>>
      tpu.wait_dma2 semaphore(%run_scoped3A : memref<!tpu.dma_semaphore, #tpu.memory_space<semaphore_mem>>) src(%dma_wait3A_52 : memref<1024xi32, #tpu.memory_space<hbm>>) dst(%arg5 : memref<1024xi32, #tpu.memory_space<vmem>>)
      tpu.yield
    }) : () -> ()
    %dma_start3A = arith.constant 0 : i32
    %dma_start3A_3 = tpu.memref_slice %arg5[%dma_start3A] : memref<1024xi32, #tpu.memory_space<vmem>> -> memref<256xi32, #tpu.memory_space<vmem>>
    %dma_start3A_4 = arith.constant 0 : i32
    %dma_start3A_5 = arith.constant 0 : i32
    %dma_start3A_6 = tpu.memref_slice %arg2[%dma_start3A_4, %dma_start3A_5] : memref<8192x256xf32, #tpu.memory_space<hbm>> -> memref<8192x256xf32, #tpu.memory_space<hbm>>
    tpu.enqueue_indirect_dma source(%dma_start3A_6 : memref<8192x256xf32, #tpu.memory_space<hbm>>) target(%arg6 : memref<256x256xf32, #tpu.memory_space<vmem>>) offsets(%dma_start3A_3 : memref<256xi32, #tpu.memory_space<vmem>>) semaphore(%arg7 : memref<!tpu.dma_semaphore, #tpu.memory_space<semaphore_mem>>)
    %dma_wait3A = arith.constant 0 : i32
    %dma_wait3A_7 = tpu.memref_slice %arg5[%dma_wait3A] : memref<1024xi32, #tpu.memory_space<vmem>> -> memref<256xi32, #tpu.memory_space<vmem>>
    %dma_wait3A_8 = arith.constant 0 : i32
    %dma_wait3A_9 = arith.constant 0 : i32
    %dma_wait3A_10 = tpu.memref_slice %arg2[%dma_wait3A_8, %dma_wait3A_9] : memref<8192x256xf32, #tpu.memory_space<hbm>> -> memref<8192x256xf32, #tpu.memory_space<hbm>>
    tpu.wait_indirect_dma semaphore(%arg7 : memref<!tpu.dma_semaphore, #tpu.memory_space<semaphore_mem>>) src(%dma_wait3A_10 : memref<8192x256xf32, #tpu.memory_space<hbm>>) dst(%arg6 : memref<256x256xf32, #tpu.memory_space<vmem>>)
    %add3A_11 = arith.constant 0 : i32
    %add3A_12 = arith.addi %mul3A_2, %add3A_11 : i32
    "tpu.region"() ({
      %run_scoped3A = tpu.sem_alloc : memref<!tpu.dma_semaphore, #tpu.memory_space<semaphore_mem>>
      %dma_start3A_49 = arith.constant 0 : i32
      %dma_start3A_50 = tpu.memref_slice %arg4[%add3A_12, %dma_start3A_49] : memref<32768x256xf32, #tpu.memory_space<hbm>> -> memref<256x256xf32, #tpu.memory_space<hbm>>
      %dma_start3A_51 = arith.constant 0 : i32
      %dma_start3A_52 = tpu.memref_slice %arg4[%add3A_12, %dma_start3A_51] : memref<32768x256xf32, #tpu.memory_space<hbm>> -> memref<256x256xf32, #tpu.memory_space<hbm>>
      tpu.enqueue_dma source(%arg6 : memref<256x256xf32, #tpu.memory_space<vmem>>) target(%dma_start3A_52 : memref<256x256xf32, #tpu.memory_space<hbm>>) target_semaphore(%run_scoped3A : memref<!tpu.dma_semaphore, #tpu.memory_space<semaphore_mem>>)
      %dma_wait3A_53 = arith.constant 0 : i32
      %dma_wait3A_54 = tpu.memref_slice %arg4[%add3A_12, %dma_wait3A_53] : memref<32768x256xf32, #tpu.memory_space<hbm>> -> memref<256x256xf32, #tpu.memory_space<hbm>>
      %dma_wait3A_55 = arith.constant 0 : i32
      %dma_wait3A_56 = tpu.memref_slice %arg4[%add3A_12, %dma_wait3A_55] : memref<32768x256xf32, #tpu.memory_space<hbm>> -> memref<256x256xf32, #tpu.memory_space<hbm>>
      tpu.wait_dma2 semaphore(%run_scoped3A : memref<!tpu.dma_semaphore, #tpu.memory_space<semaphore_mem>>) src(%arg6 : memref<256x256xf32, #tpu.memory_space<vmem>>) dst(%dma_wait3A_56 : memref<256x256xf32, #tpu.memory_space<hbm>>)
      tpu.yield
    }) : () -> ()
    %dma_start3A_13 = arith.constant 256 : i32
    %dma_start3A_14 = tpu.memref_slice %arg5[%dma_start3A_13] : memref<1024xi32, #tpu.memory_space<vmem>> -> memref<256xi32, #tpu.memory_space<vmem>>
    %dma_start3A_15 = arith.constant 0 : i32
    %dma_start3A_16 = arith.constant 0 : i32
    %dma_start3A_17 = tpu.memref_slice %arg2[%dma_start3A_15, %dma_start3A_16] : memref<8192x256xf32, #tpu.memory_space<hbm>> -> memref<8192x256xf32, #tpu.memory_space<hbm>>
    tpu.enqueue_indirect_dma source(%dma_start3A_17 : memref<8192x256xf32, #tpu.memory_space<hbm>>) target(%arg6 : memref<256x256xf32, #tpu.memory_space<vmem>>) offsets(%dma_start3A_14 : memref<256xi32, #tpu.memory_space<vmem>>) semaphore(%arg7 : memref<!tpu.dma_semaphore, #tpu.memory_space<semaphore_mem>>)
    %dma_wait3A_18 = arith.constant 256 : i32
    %dma_wait3A_19 = tpu.memref_slice %arg5[%dma_wait3A_18] : memref<1024xi32, #tpu.memory_space<vmem>> -> memref<256xi32, #tpu.memory_space<vmem>>
    %dma_wait3A_20 = arith.constant 0 : i32
    %dma_wait3A_21 = arith.constant 0 : i32
    %dma_wait3A_22 = tpu.memref_slice %arg2[%dma_wait3A_20, %dma_wait3A_21] : memref<8192x256xf32, #tpu.memory_space<hbm>> -> memref<8192x256xf32, #tpu.memory_space<hbm>>
    tpu.wait_indirect_dma semaphore(%arg7 : memref<!tpu.dma_semaphore, #tpu.memory_space<semaphore_mem>>) src(%dma_wait3A_22 : memref<8192x256xf32, #tpu.memory_space<hbm>>) dst(%arg6 : memref<256x256xf32, #tpu.memory_space<vmem>>)
    %add3A_23 = arith.constant 256 : i32
    %add3A_24 = arith.addi %mul3A_2, %add3A_23 : i32
    "tpu.region"() ({
      %run_scoped3A = tpu.sem_alloc : memref<!tpu.dma_semaphore, #tpu.memory_space<semaphore_mem>>
      %dma_start3A_49 = arith.constant 0 : i32
      %dma_start3A_50 = tpu.memref_slice %arg4[%add3A_24, %dma_start3A_49] : memref<32768x256xf32, #tpu.memory_space<hbm>> -> memref<256x256xf32, #tpu.memory_space<hbm>>
      %dma_start3A_51 = arith.constant 0 : i32
      %dma_start3A_52 = tpu.memref_slice %arg4[%add3A_24, %dma_start3A_51] : memref<32768x256xf32, #tpu.memory_space<hbm>> -> memref<256x256xf32, #tpu.memory_space<hbm>>
      tpu.enqueue_dma source(%arg6 : memref<256x256xf32, #tpu.memory_space<vmem>>) target(%dma_start3A_52 : memref<256x256xf32, #tpu.memory_space<hbm>>) target_semaphore(%run_scoped3A : memref<!tpu.dma_semaphore, #tpu.memory_space<semaphore_mem>>)
      %dma_wait3A_53 = arith.constant 0 : i32
      %dma_wait3A_54 = tpu.memref_slice %arg4[%add3A_24, %dma_wait3A_53] : memref<32768x256xf32, #tpu.memory_space<hbm>> -> memref<256x256xf32, #tpu.memory_space<hbm>>
      %dma_wait3A_55 = arith.constant 0 : i32
      %dma_wait3A_56 = tpu.memref_slice %arg4[%add3A_24, %dma_wait3A_55] : memref<32768x256xf32, #tpu.memory_space<hbm>> -> memref<256x256xf32, #tpu.memory_space<hbm>>
      tpu.wait_dma2 semaphore(%run_scoped3A : memref<!tpu.dma_semaphore, #tpu.memory_space<semaphore_mem>>) src(%arg6 : memref<256x256xf32, #tpu.memory_space<vmem>>) dst(%dma_wait3A_56 : memref<256x256xf32, #tpu.memory_space<hbm>>)
      tpu.yield
    }) : () -> ()
    %dma_start3A_25 = arith.constant 512 : i32
    %dma_start3A_26 = tpu.memref_slice %arg5[%dma_start3A_25] : memref<1024xi32, #tpu.memory_space<vmem>> -> memref<256xi32, #tpu.memory_space<vmem>>
    %dma_start3A_27 = arith.constant 0 : i32
    %dma_start3A_28 = arith.constant 0 : i32
    %dma_start3A_29 = tpu.memref_slice %arg2[%dma_start3A_27, %dma_start3A_28] : memref<8192x256xf32, #tpu.memory_space<hbm>> -> memref<8192x256xf32, #tpu.memory_space<hbm>>
    tpu.enqueue_indirect_dma source(%dma_start3A_29 : memref<8192x256xf32, #tpu.memory_space<hbm>>) target(%arg6 : memref<256x256xf32, #tpu.memory_space<vmem>>) offsets(%dma_start3A_26 : memref<256xi32, #tpu.memory_space<vmem>>) semaphore(%arg7 : memref<!tpu.dma_semaphore, #tpu.memory_space<semaphore_mem>>)
    %dma_wait3A_30 = arith.constant 512 : i32
    %dma_wait3A_31 = tpu.memref_slice %arg5[%dma_wait3A_30] : memref<1024xi32, #tpu.memory_space<vmem>> -> memref<256xi32, #tpu.memory_space<vmem>>
    %dma_wait3A_32 = arith.constant 0 : i32
    %dma_wait3A_33 = arith.constant 0 : i32
    %dma_wait3A_34 = tpu.memref_slice %arg2[%dma_wait3A_32, %dma_wait3A_33] : memref<8192x256xf32, #tpu.memory_space<hbm>> -> memref<8192x256xf32, #tpu.memory_space<hbm>>
    tpu.wait_indirect_dma semaphore(%arg7 : memref<!tpu.dma_semaphore, #tpu.memory_space<semaphore_mem>>) src(%dma_wait3A_34 : memref<8192x256xf32, #tpu.memory_space<hbm>>) dst(%arg6 : memref<256x256xf32, #tpu.memory_space<vmem>>)
    %add3A_35 = arith.constant 512 : i32
    %add3A_36 = arith.addi %mul3A_2, %add3A_35 : i32
    "tpu.region"() ({
      %run_scoped3A = tpu.sem_alloc : memref<!tpu.dma_semaphore, #tpu.memory_space<semaphore_mem>>
      %dma_start3A_49 = arith.constant 0 : i32
      %dma_start3A_50 = tpu.memref_slice %arg4[%add3A_36, %dma_start3A_49] : memref<32768x256xf32, #tpu.memory_space<hbm>> -> memref<256x256xf32, #tpu.memory_space<hbm>>
      %dma_start3A_51 = arith.constant 0 : i32
      %dma_start3A_52 = tpu.memref_slice %arg4[%add3A_36, %dma_start3A_51] : memref<32768x256xf32, #tpu.memory_space<hbm>> -> memref<256x256xf32, #tpu.memory_space<hbm>>
      tpu.enqueue_dma source(%arg6 : memref<256x256xf32, #tpu.memory_space<vmem>>) target(%dma_start3A_52 : memref<256x256xf32, #tpu.memory_space<hbm>>) target_semaphore(%run_scoped3A : memref<!tpu.dma_semaphore, #tpu.memory_space<semaphore_mem>>)
      %dma_wait3A_53 = arith.constant 0 : i32
      %dma_wait3A_54 = tpu.memref_slice %arg4[%add3A_36, %dma_wait3A_53] : memref<32768x256xf32, #tpu.memory_space<hbm>> -> memref<256x256xf32, #tpu.memory_space<hbm>>
      %dma_wait3A_55 = arith.constant 0 : i32
      %dma_wait3A_56 = tpu.memref_slice %arg4[%add3A_36, %dma_wait3A_55] : memref<32768x256xf32, #tpu.memory_space<hbm>> -> memref<256x256xf32, #tpu.memory_space<hbm>>
      tpu.wait_dma2 semaphore(%run_scoped3A : memref<!tpu.dma_semaphore, #tpu.memory_space<semaphore_mem>>) src(%arg6 : memref<256x256xf32, #tpu.memory_space<vmem>>) dst(%dma_wait3A_56 : memref<256x256xf32, #tpu.memory_space<hbm>>)
      tpu.yield
    }) : () -> ()
    %dma_start3A_37 = arith.constant 768 : i32
    %dma_start3A_38 = tpu.memref_slice %arg5[%dma_start3A_37] : memref<1024xi32, #tpu.memory_space<vmem>> -> memref<256xi32, #tpu.memory_space<vmem>>
    %dma_start3A_39 = arith.constant 0 : i32
    %dma_start3A_40 = arith.constant 0 : i32
    %dma_start3A_41 = tpu.memref_slice %arg2[%dma_start3A_39, %dma_start3A_40] : memref<8192x256xf32, #tpu.memory_space<hbm>> -> memref<8192x256xf32, #tpu.memory_space<hbm>>
    tpu.enqueue_indirect_dma source(%dma_start3A_41 : memref<8192x256xf32, #tpu.memory_space<hbm>>) target(%arg6 : memref<256x256xf32, #tpu.memory_space<vmem>>) offsets(%dma_start3A_38 : memref<256xi32, #tpu.memory_space<vmem>>) semaphore(%arg7 : memref<!tpu.dma_semaphore, #tpu.memory_space<semaphore_mem>>)
    %dma_wait3A_42 = arith.constant 768 : i32
    %dma_wait3A_43 = tpu.memref_slice %arg5[%dma_wait3A_42] : memref<1024xi32, #tpu.memory_space<vmem>> -> memref<256xi32, #tpu.memory_space<vmem>>
    %dma_wait3A_44 = arith.constant 0 : i32
    %dma_wait3A_45 = arith.constant 0 : i32
    %dma_wait3A_46 = tpu.memref_slice %arg2[%dma_wait3A_44, %dma_wait3A_45] : memref<8192x256xf32, #tpu.memory_space<hbm>> -> memref<8192x256xf32, #tpu.memory_space<hbm>>
    tpu.wait_indirect_dma semaphore(%arg7 : memref<!tpu.dma_semaphore, #tpu.memory_space<semaphore_mem>>) src(%dma_wait3A_46 : memref<8192x256xf32, #tpu.memory_space<hbm>>) dst(%arg6 : memref<256x256xf32, #tpu.memory_space<vmem>>)
    %add3A_47 = arith.constant 768 : i32
    %add3A_48 = arith.addi %mul3A_2, %add3A_47 : i32
    "tpu.region"() ({
      %run_scoped3A = tpu.sem_alloc : memref<!tpu.dma_semaphore, #tpu.memory_space<semaphore_mem>>
      %dma_start3A_49 = arith.constant 0 : i32
      %dma_start3A_50 = tpu.memref_slice %arg4[%add3A_48, %dma_start3A_49] : memref<32768x256xf32, #tpu.memory_space<hbm>> -> memref<256x256xf32, #tpu.memory_space<hbm>>
      %dma_start3A_51 = arith.constant 0 : i32
      %dma_start3A_52 = tpu.memref_slice %arg4[%add3A_48, %dma_start3A_51] : memref<32768x256xf32, #tpu.memory_space<hbm>> -> memref<256x256xf32, #tpu.memory_space<hbm>>
      tpu.enqueue_dma source(%arg6 : memref<256x256xf32, #tpu.memory_space<vmem>>) target(%dma_start3A_52 : memref<256x256xf32, #tpu.memory_space<hbm>>) target_semaphore(%run_scoped3A : memref<!tpu.dma_semaphore, #tpu.memory_space<semaphore_mem>>)
      %dma_wait3A_53 = arith.constant 0 : i32
      %dma_wait3A_54 = tpu.memref_slice %arg4[%add3A_48, %dma_wait3A_53] : memref<32768x256xf32, #tpu.memory_space<hbm>> -> memref<256x256xf32, #tpu.memory_space<hbm>>
      %dma_wait3A_55 = arith.constant 0 : i32
      %dma_wait3A_56 = tpu.memref_slice %arg4[%add3A_48, %dma_wait3A_55] : memref<32768x256xf32, #tpu.memory_space<hbm>> -> memref<256x256xf32, #tpu.memory_space<hbm>>
      tpu.wait_dma2 semaphore(%run_scoped3A : memref<!tpu.dma_semaphore, #tpu.memory_space<semaphore_mem>>) src(%arg6 : memref<256x256xf32, #tpu.memory_space<vmem>>) dst(%dma_wait3A_56 : memref<256x256xf32, #tpu.memory_space<hbm>>)
      tpu.yield
    }) : () -> ()
    return
  }
}

module attributes {stable_mosaic.version = 14 : i64} {
  func.func @_mlp_body(%arg0: i32, %arg1: memref<512x768xf32, #tpu.memory_space<vmem>>, %arg2: memref<768x512xf32, #tpu.memory_space<vmem>>, %arg3: memref<512xf32, #tpu.memory_space<vmem>>, %arg4: memref<512x512xbf16, #tpu.memory_space<vmem>>) attributes {dimension_semantics = [#tpu.dimension_semantics<arbitrary>], iteration_bounds = array<i64: 64>, scalar_prefetch = 0 : i64, scratch_operands = 0 : i64, tpu.core_type = #tpu.core_type<tc>, window_params = [{transform_indices = @transform_0, window_bounds = array<i64: 512, 768>}, {pipeline_mode = #tpu.pipeline_mode<synchronous>, transform_indices = @transform_1, window_bounds = array<i64: 768, 512>}, {pipeline_mode = #tpu.pipeline_mode<synchronous>, transform_indices = @transform_2, window_bounds = array<i64: 512>}, {transform_indices = @transform_3, window_bounds = array<i64: 512, 512>}]} {
    %get3A = arith.constant 0 : index
    %get3A_0 = arith.constant 0 : index
    %get3A_1 = vector.load %arg1[%get3A, %get3A_0] : memref<512x768xf32, #tpu.memory_space<vmem>>, vector<512x768xf32>
    %convert_element_type3A = arith.truncf %get3A_1 : vector<512x768xf32> to vector<512x768xbf16>
    %get3A_2 = arith.constant 0 : index
    %get3A_3 = arith.constant 0 : index
    %get3A_4 = vector.load %arg2[%get3A_2, %get3A_3] : memref<768x512xf32, #tpu.memory_space<vmem>>, vector<768x512xf32>
    %convert_element_type3A_5 = arith.truncf %get3A_4 : vector<768x512xf32> to vector<768x512xbf16>
    %dot_general3A = arith.constant dense<0.000000e+00> : vector<512x512xf32>
    %dot_general3A_6 = tpu.matmul %convert_element_type3A, %convert_element_type3A_5, %dot_general3A {dimension_numbers = #tpu.dot_dimension_numbers<[1], [0], [0], [1], [0, 0, 1, 1], [], []>, transpose_lhs_hint = false} : vector<512x768xbf16>, vector<768x512xbf16>, vector<512x512xf32> -> vector<512x512xf32>
    %get3A_7 = arith.constant 0 : index
    %get3A_8 = vector.load %arg3[%get3A_7] : memref<512xf32, #tpu.memory_space<vmem>>, vector<512xf32>
    %broadcast_in_dim3A = vector.shape_cast %get3A_8 : vector<512xf32> to vector<1x512xf32>
    %add3A = vector.broadcast %broadcast_in_dim3A : vector<1x512xf32> to vector<512x512xf32>
    %add3A_9 = arith.addf %dot_general3A_6, %add3A : vector<512x512xf32>
    %max3A = arith.constant 0.000000e+00 : f32
    %max3A_10 = vector.broadcast %max3A : f32 to vector<512x512xf32>
    %max3A_11 = arith.maximumf %add3A_9, %max3A_10 : vector<512x512xf32>
    %convert_element_type3A_12 = arith.truncf %max3A_11 : vector<512x512xf32> to vector<512x512xbf16>
    %swap3A = arith.constant 0 : index
    %swap3A_13 = arith.constant 0 : index
    %swap3A_14 = vector.load %arg4[%swap3A, %swap3A_13] : memref<512x512xbf16, #tpu.memory_space<vmem>>, vector<512x512xbf16>
    tpu.vector_store %arg4[%swap3A, %swap3A_13], %convert_element_type3A_12 {strides = array<i32>} : memref<512x512xbf16, #tpu.memory_space<vmem>>, vector<512x512xbf16>,
    return
  }
  func.func @transform_0(%arg0: i32) -> (i32, i32) {
    %c0_i32 = arith.constant 0 : i32
    %c0_i32_0 = arith.constant 0 : i32
    return %arg0, %c0_i32 : i32, i32
  }
  func.func @transform_1(%arg0: i32) -> (i32, i32) {
    %c0_i32 = arith.constant 0 : i32
    %c0_i32_0 = arith.constant 0 : i32
    %c0_i32_1 = arith.constant 0 : i32
    return %c0_i32, %c0_i32_0 : i32, i32
  }
  func.func @transform_2(%arg0: i32) -> i32 {
    %c0_i32 = arith.constant 0 : i32
    %c0_i32_0 = arith.constant 0 : i32
    return %c0_i32 : i32
  }
  func.func @transform_3(%arg0: i32) -> (i32, i32) {
    %c0_i32 = arith.constant 0 : i32
    %c0_i32_0 = arith.constant 0 : i32
    return %arg0, %c0_i32 : i32, i32
  }
}

module attributes {stable_mosaic.version = 14 : i64} {
  func.func @_mlp_body(%arg0: i32, %arg1: memref<512x512xbf16, #tpu.memory_space<vmem>>, %arg2: memref<512x256xf32, #tpu.memory_space<vmem>>, %arg3: memref<256xf32, #tpu.memory_space<vmem>>, %arg4: memref<512x256xf32, #tpu.memory_space<vmem>>) attributes {dimension_semantics = [#tpu.dimension_semantics<arbitrary>], iteration_bounds = array<i64: 64>, scalar_prefetch = 0 : i64, scratch_operands = 0 : i64, tpu.core_type = #tpu.core_type<tc>, window_params = [{transform_indices = @transform_0, window_bounds = array<i64: 512, 512>}, {pipeline_mode = #tpu.pipeline_mode<synchronous>, transform_indices = @transform_1, window_bounds = array<i64: 512, 256>}, {pipeline_mode = #tpu.pipeline_mode<synchronous>, transform_indices = @transform_2, window_bounds = array<i64: 256>}, {transform_indices = @transform_3, window_bounds = array<i64: 512, 256>}]} {
    %get3A = arith.constant 0 : index
    %get3A_0 = arith.constant 0 : index
    %get3A_1 = vector.load %arg1[%get3A, %get3A_0] : memref<512x512xbf16, #tpu.memory_space<vmem>>, vector<512x512xbf16>
    %get3A_2 = arith.constant 0 : index
    %get3A_3 = arith.constant 0 : index
    %get3A_4 = vector.load %arg2[%get3A_2, %get3A_3] : memref<512x256xf32, #tpu.memory_space<vmem>>, vector<512x256xf32>
    %convert_element_type3A = arith.truncf %get3A_4 : vector<512x256xf32> to vector<512x256xbf16>
    %dot_general3A = arith.constant dense<0.000000e+00> : vector<512x256xf32>
    %dot_general3A_5 = tpu.matmul %get3A_1, %convert_element_type3A, %dot_general3A {dimension_numbers = #tpu.dot_dimension_numbers<[1], [0], [0], [1], [0, 0, 1, 1], [], []>, transpose_lhs_hint = false} : vector<512x512xbf16>, vector<512x256xbf16>, vector<512x256xf32> -> vector<512x256xf32>
    %get3A_6 = arith.constant 0 : index
    %get3A_7 = vector.load %arg3[%get3A_6] : memref<256xf32, #tpu.memory_space<vmem>>, vector<256xf32>
    %broadcast_in_dim3A = vector.shape_cast %get3A_7 : vector<256xf32> to vector<1x256xf32>
    %add3A = vector.broadcast %broadcast_in_dim3A : vector<1x256xf32> to vector<512x256xf32>
    %add3A_8 = arith.addf %dot_general3A_5, %add3A : vector<512x256xf32>
    %swap3A = arith.constant 0 : index
    %swap3A_9 = arith.constant 0 : index
    %swap3A_10 = vector.load %arg4[%swap3A, %swap3A_9] : memref<512x256xf32, #tpu.memory_space<vmem>>, vector<512x256xf32>
    tpu.vector_store %arg4[%swap3A, %swap3A_9], %add3A_8 {strides = array<i32>} : memref<512x256xf32, #tpu.memory_space<vmem>>, vector<512x256xf32>,
    return
  }
  func.func @transform_0(%arg0: i32) -> (i32, i32) {
    %c0_i32 = arith.constant 0 : i32
    %c0_i32_0 = arith.constant 0 : i32
    return %arg0, %c0_i32 : i32, i32
  }
  func.func @transform_1(%arg0: i32) -> (i32, i32) {
    %c0_i32 = arith.constant 0 : i32
    %c0_i32_0 = arith.constant 0 : i32
    %c0_i32_1 = arith.constant 0 : i32
    return %c0_i32, %c0_i32_0 : i32, i32
  }
  func.func @transform_2(%arg0: i32) -> i32 {
    %c0_i32 = arith.constant 0 : i32
    %c0_i32_0 = arith.constant 0 : i32
    return %c0_i32 : i32
  }
  func.func @transform_3(%arg0: i32) -> (i32, i32) {
    %c0_i32 = arith.constant 0 : i32
    %c0_i32_0 = arith.constant 0 : i32
    return %arg0, %c0_i32 : i32, i32
  }
}

module attributes {stable_mosaic.version = 14 : i64} {
  func.func @_vq_body(%arg0: i32, %arg1: memref<512x256xf32, #tpu.memory_space<vmem>>, %arg2: memref<8192x256xf32, #tpu.memory_space<vmem>>, %arg3: memref<512xi32, #tpu.memory_space<vmem>>) attributes {dimension_semantics = [#tpu.dimension_semantics<arbitrary>], iteration_bounds = array<i64: 64>, scalar_prefetch = 0 : i64, scratch_operands = 0 : i64, tpu.core_type = #tpu.core_type<tc>, window_params = [{transform_indices = @transform_0, window_bounds = array<i64: 512, 256>}, {pipeline_mode = #tpu.pipeline_mode<synchronous>, transform_indices = @transform_1, window_bounds = array<i64: 8192, 256>}, {transform_indices = @transform_2, window_bounds = array<i64: 512>}]} {
    %get3A = arith.constant 0 : index
    %get3A_0 = arith.constant 0 : index
    %get3A_1 = vector.load %arg1[%get3A, %get3A_0] : memref<512x256xf32, #tpu.memory_space<vmem>>, vector<512x256xf32>
    %convert_element_type3A = arith.truncf %get3A_1 : vector<512x256xf32> to vector<512x256xbf16>
    %mul3A = arith.mulf %get3A_1, %get3A_1 : vector<512x256xf32>
    %reduce_sum3A = arith.constant dense<0.000000e+00> : vector<512xf32>
    %reduce_sum3A_2 = vector.multi_reduction <add>, %mul3A, %reduce_sum3A [1] : vector<512x256xf32> to vector<512xf32>
    %broadcast_in_dim3A = vector.shape_cast %reduce_sum3A_2 : vector<512xf32> to vector<512x1xf32>
    %iota3A = tpu.iota {dimensions = array<i32: 1>} : vector<512x2048xi32>
    %broadcast_in_dim3A_3 = arith.constant 0x7F800000 : f32
    %broadcast_in_dim3A_4 = vector.broadcast %broadcast_in_dim3A_3 : f32 to vector<512x1xf32>
    %broadcast_in_dim3A_5 = arith.constant 0 : i32
    %broadcast_in_dim3A_6 = vector.broadcast %broadcast_in_dim3A_5 : i32 to vector<512x1xi32>
    %scan3A = arith.constant 0 : i32
    %scan3A_7 = arith.constant 4 : i32
    %scan3A_8 = arith.addi %scan3A, %scan3A_7 : i32
    %scan3A_9 = arith.constant 1 : i32
    %scan3A_10:2 = scf.for %scan3A_13 = %scan3A to %scan3A_8 step %scan3A_9 iter_args(%scan3A_14 = %broadcast_in_dim3A_4, %scan3A_15 = %broadcast_in_dim3A_6) -> (vector<512x1xf32>, vector<512x1xi32>)  : i32 {
      %mul3A_16 = arith.constant 2048 : i32
      %mul3A_17 = arith.muli %scan3A_13, %mul3A_16 : i32
      %get3A_18 = arith.index_cast %mul3A_17 : i32 to index
      %get3A_19 = arith.constant 0 : index
      %get3A_20 = vector.load %arg2[%get3A_18, %get3A_19] : memref<8192x256xf32, #tpu.memory_space<vmem>>, vector<2048x256xf32>
      %mul3A_21 = arith.mulf %get3A_20, %get3A_20 : vector<2048x256xf32>
      %reduce_sum3A_22 = arith.constant dense<0.000000e+00> : vector<2048xf32>
      %reduce_sum3A_23 = vector.multi_reduction <add>, %mul3A_21, %reduce_sum3A_22 [1] : vector<2048x256xf32> to vector<2048xf32>
      %broadcast_in_dim3A_24 = vector.shape_cast %reduce_sum3A_23 : vector<2048xf32> to vector<1x2048xf32>
      %convert_element_type3A_25 = arith.truncf %get3A_20 : vector<2048x256xf32> to vector<2048x256xbf16>
      %dot_general3A = arith.constant dense<0.000000e+00> : vector<512x2048xf32>
      %dot_general3A_26 = tpu.matmul %convert_element_type3A, %convert_element_type3A_25, %dot_general3A {dimension_numbers = #tpu.dot_dimension_numbers<[1], [1], [0], [0], [0, 0, 1, 0], [], []>, transpose_lhs_hint = false} : vector<512x256xbf16>, vector<2048x256xbf16>, vector<512x2048xf32> -> vector<512x2048xf32>
      %add3A = vector.broadcast %broadcast_in_dim3A : vector<512x1xf32> to vector<512x2048xf32>
      %add3A_27 = vector.broadcast %broadcast_in_dim3A_24 : vector<1x2048xf32> to vector<512x2048xf32>
      %add3A_28 = arith.addf %add3A, %add3A_27 : vector<512x2048xf32>
      %mul3A_29 = arith.constant 2.000000e+00 : f32
      %mul3A_30 = vector.broadcast %mul3A_29 : f32 to vector<512x2048xf32>
      %mul3A_31 = arith.mulf %mul3A_30, %dot_general3A_26 : vector<512x2048xf32>
      %sub3A = arith.subf %add3A_28, %mul3A_31 : vector<512x2048xf32>
      %reduce_min3A = arith.constant dense<0x7F800000> : vector<512xf32>
      %reduce_min3A_32 = vector.multi_reduction <minimumf>, %sub3A, %reduce_min3A [1] : vector<512x2048xf32> to vector<512xf32>
      %broadcast_in_dim3A_33 = vector.shape_cast %reduce_min3A_32 : vector<512xf32> to vector<512x1xf32>
      %mul3A_34 = arith.constant 2048 : i32
      %mul3A_35 = arith.muli %scan3A_13, %mul3A_34 : i32
      %add3A_36 = vector.broadcast %mul3A_35 : i32 to vector<512x2048xi32>
      %add3A_37 = arith.addi %iota3A, %add3A_36 : vector<512x2048xi32>
      %eq3A = vector.broadcast %broadcast_in_dim3A_33 : vector<512x1xf32> to vector<512x2048xf32>
      %eq3A_38 = arith.cmpf oeq, %sub3A, %eq3A : vector<512x2048xf32>
      %jit3A = arith.constant 1073741824 : i32
      %broadcast_in_dim3A_39 = vector.broadcast %jit3A : i32 to vector<512x2048xi32>
      %select_n3A = arith.select %eq3A_38, %add3A_37, %broadcast_in_dim3A_39 : vector<512x2048xi1>, vector<512x2048xi32>
      %reduce_min3A_40 = arith.constant dense<2147483647> : vector<512xi32>
      %reduce_min3A_41 = vector.multi_reduction <minsi>, %select_n3A, %reduce_min3A_40 [1] : vector<512x2048xi32> to vector<512xi32>
      %broadcast_in_dim3A_42 = vector.shape_cast %reduce_min3A_41 : vector<512xi32> to vector<512x1xi32>
      %lt3A = arith.cmpf olt, %broadcast_in_dim3A_33, %scan3A_14 : vector<512x1xf32>
      %select_n3A_43 = arith.select %lt3A, %broadcast_in_dim3A_33, %scan3A_14 : vector<512x1xi1>, vector<512x1xf32>
      %select_n3A_44 = arith.select %lt3A, %broadcast_in_dim3A_42, %scan3A_15 : vector<512x1xi1>, vector<512x1xi32>
      scf.yield %select_n3A_43, %select_n3A_44 : vector<512x1xf32>, vector<512x1xi32>
    }
    %scan3A_11 = arith.constant 4 : i32
    %squeeze3A = vector.shape_cast %scan3A_10#1 : vector<512x1xi32> to vector<512xi32>
    %swap3A = arith.constant 0 : index
    %swap3A_12 = vector.load %arg3[%swap3A] : memref<512xi32, #tpu.memory_space<vmem>>, vector<512xi32>
    tpu.vector_store %arg3[%swap3A], %squeeze3A {strides = array<i32>} : memref<512xi32, #tpu.memory_space<vmem>>, vector<512xi32>,
    return
  }
  func.func @transform_0(%arg0: i32) -> (i32, i32) {
    %c0_i32 = arith.constant 0 : i32
    %c0_i32_0 = arith.constant 0 : i32
    return %arg0, %c0_i32 : i32, i32
  }
  func.func @transform_1(%arg0: i32) -> (i32, i32) {
    %c0_i32 = arith.constant 0 : i32
    %c0_i32_0 = arith.constant 0 : i32
    %c0_i32_1 = arith.constant 0 : i32
    return %c0_i32, %c0_i32_0 : i32, i32
  }
  func.func @transform_2(%arg0: i32) -> i32 {
    %c0_i32 = arith.constant 0 : i32
    return %arg0 : i32
  }
}

module attributes {stable_mosaic.version = 14 : i64} {
  func.func @_dec_body(%arg0: i32, %arg1: memref<512x256xf32, #tpu.memory_space<vmem>>, %arg2: memref<512x256xf32, #tpu.memory_space<vmem>>, %arg3: memref<256x512xf32, #tpu.memory_space<vmem>>, %arg4: memref<512xf32, #tpu.memory_space<vmem>>, %arg5: memref<512x768xf32, #tpu.memory_space<vmem>>, %arg6: memref<768xf32, #tpu.memory_space<vmem>>, %arg7: memref<512x768xf32, #tpu.memory_space<vmem>>, %arg8: memref<1x1xf32, #tpu.memory_space<smem>>) attributes {dimension_semantics = [#tpu.dimension_semantics<arbitrary>], iteration_bounds = array<i64: 64>, scalar_prefetch = 0 : i64, scratch_operands = 0 : i64, tpu.core_type = #tpu.core_type<tc>, window_params = [{transform_indices = @transform_0, window_bounds = array<i64: 512, 256>}, {transform_indices = @transform_1, window_bounds = array<i64: 512, 256>}, {pipeline_mode = #tpu.pipeline_mode<synchronous>, transform_indices = @transform_2, window_bounds = array<i64: 256, 512>}, {pipeline_mode = #tpu.pipeline_mode<synchronous>, transform_indices = @transform_3, window_bounds = array<i64: 512>}, {pipeline_mode = #tpu.pipeline_mode<synchronous>, transform_indices = @transform_4, window_bounds = array<i64: 512, 768>}, {pipeline_mode = #tpu.pipeline_mode<synchronous>, transform_indices = @transform_5, window_bounds = array<i64: 768>}, {transform_indices = @transform_6, window_bounds = array<i64: 512, 768>}, {transform_indices = @transform_7, window_bounds = array<i64: 1, 1>}]} {
    %get3A = arith.constant 0 : index
    %get3A_0 = arith.constant 0 : index
    %get3A_1 = vector.load %arg2[%get3A, %get3A_0] : memref<512x256xf32, #tpu.memory_space<vmem>>, vector<512x256xf32>
    %convert_element_type3A = arith.truncf %get3A_1 : vector<512x256xf32> to vector<512x256xbf16>
    %get3A_2 = arith.constant 0 : index
    %get3A_3 = arith.constant 0 : index
    %get3A_4 = vector.load %arg3[%get3A_2, %get3A_3] : memref<256x512xf32, #tpu.memory_space<vmem>>, vector<256x512xf32>
    %convert_element_type3A_5 = arith.truncf %get3A_4 : vector<256x512xf32> to vector<256x512xbf16>
    %dot_general3A = arith.constant dense<0.000000e+00> : vector<512x512xf32>
    %dot_general3A_6 = tpu.matmul %convert_element_type3A, %convert_element_type3A_5, %dot_general3A {dimension_numbers = #tpu.dot_dimension_numbers<[1], [0], [0], [1], [0, 0, 1, 1], [], []>, transpose_lhs_hint = false} : vector<512x256xbf16>, vector<256x512xbf16>, vector<512x512xf32> -> vector<512x512xf32>
    %get3A_7 = arith.constant 0 : index
    %get3A_8 = vector.load %arg4[%get3A_7] : memref<512xf32, #tpu.memory_space<vmem>>, vector<512xf32>
    %broadcast_in_dim3A = vector.shape_cast %get3A_8 : vector<512xf32> to vector<1x512xf32>
    %add3A = vector.broadcast %broadcast_in_dim3A : vector<1x512xf32> to vector<512x512xf32>
    %add3A_9 = arith.addf %dot_general3A_6, %add3A : vector<512x512xf32>
    %max3A = arith.constant 0.000000e+00 : f32
    %max3A_10 = vector.broadcast %max3A : f32 to vector<512x512xf32>
    %max3A_11 = arith.maximumf %add3A_9, %max3A_10 : vector<512x512xf32>
    %convert_element_type3A_12 = arith.truncf %max3A_11 : vector<512x512xf32> to vector<512x512xbf16>
    %get3A_13 = arith.constant 0 : index
    %get3A_14 = arith.constant 0 : index
    %get3A_15 = vector.load %arg5[%get3A_13, %get3A_14] : memref<512x768xf32, #tpu.memory_space<vmem>>, vector<512x768xf32>
    %convert_element_type3A_16 = arith.truncf %get3A_15 : vector<512x768xf32> to vector<512x768xbf16>
    %dot_general3A_17 = arith.constant dense<0.000000e+00> : vector<512x768xf32>
    %dot_general3A_18 = tpu.matmul %convert_element_type3A_12, %convert_element_type3A_16, %dot_general3A_17 {dimension_numbers = #tpu.dot_dimension_numbers<[1], [0], [0], [1], [0, 0, 1, 1], [], []>, transpose_lhs_hint = false} : vector<512x512xbf16>, vector<512x768xbf16>, vector<512x768xf32> -> vector<512x768xf32>
    %get3A_19 = arith.constant 0 : index
    %get3A_20 = vector.load %arg6[%get3A_19] : memref<768xf32, #tpu.memory_space<vmem>>, vector<768xf32>
    %broadcast_in_dim3A_21 = vector.shape_cast %get3A_20 : vector<768xf32> to vector<1x768xf32>
    %add3A_22 = vector.broadcast %broadcast_in_dim3A_21 : vector<1x768xf32> to vector<512x768xf32>
    %add3A_23 = arith.addf %dot_general3A_18, %add3A_22 : vector<512x768xf32>
    %swap3A = arith.constant 0 : index
    %swap3A_24 = arith.constant 0 : index
    %swap3A_25 = vector.load %arg7[%swap3A, %swap3A_24] : memref<512x768xf32, #tpu.memory_space<vmem>>, vector<512x768xf32>
    tpu.vector_store %arg7[%swap3A, %swap3A_24], %add3A_23 {strides = array<i32>} : memref<512x768xf32, #tpu.memory_space<vmem>>, vector<512x768xf32>,
    %get3A_26 = arith.constant 0 : index
    %get3A_27 = arith.constant 0 : index
    %get3A_28 = vector.load %arg1[%get3A_26, %get3A_27] : memref<512x256xf32, #tpu.memory_space<vmem>>, vector<512x256xf32>
    %sub3A = arith.subf %get3A_28, %get3A_1 : vector<512x256xf32>
    %mul3A = arith.mulf %sub3A, %sub3A : vector<512x256xf32>
    %reduce_sum3A = vector.shape_cast %mul3A : vector<512x256xf32> to vector<1x512x256xf32>
    %reduce_sum3A_29 = arith.constant dense<0.000000e+00> : vector<1xf32>
    %reduce_sum3A_30 = vector.multi_reduction <add>, %reduce_sum3A, %reduce_sum3A_29 [1, 2] : vector<1x512x256xf32> to vector<1xf32>
    %reduce_sum3A_31 = vector.shape_cast %reduce_sum3A_30 : vector<1xf32> to vector<1x1x1xf32>
    %reduce_sum3A_32 = vector.extract %reduce_sum3A_31[0, 0, 0] : f32 from vector<1x1x1xf32>
    %eq3A = arith.constant 0 : i32
    %eq3A_33 = arith.cmpi eq, %arg0, %eq3A : i32
    %convert_element_type3A_34 = arith.extui %eq3A_33 : i1 to i32
    %cond3A = arith.constant 0 : i32
    %cond3A_35 = arith.cmpi ne, %convert_element_type3A_34, %cond3A : i32
    scf.if %cond3A_35 {
      %swap3A_43 = arith.constant 0.000000e+00 : f32
      %swap3A_44 = arith.constant 0 : index
      %swap3A_45 = arith.constant 0 : index
      %swap3A_46 = memref.load %arg8[%swap3A_44, %swap3A_45] : memref<1x1xf32, #tpu.memory_space<smem>>
      memref.store %swap3A_43, %arg8[%swap3A_44, %swap3A_45] : memref<1x1xf32, #tpu.memory_space<smem>>
    } else {
    }
    %get3A_36 = arith.constant 0 : index
    %get3A_37 = arith.constant 0 : index
    %get3A_38 = memref.load %arg8[%get3A_36, %get3A_37] : memref<1x1xf32, #tpu.memory_space<smem>>
    %add3A_39 = arith.addf %get3A_38, %reduce_sum3A_32 : f32
    %swap3A_40 = arith.constant 0 : index
    %swap3A_41 = arith.constant 0 : index
    %swap3A_42 = memref.load %arg8[%swap3A_40, %swap3A_41] : memref<1x1xf32, #tpu.memory_space<smem>>
    memref.store %add3A_39, %arg8[%swap3A_40, %swap3A_41] : memref<1x1xf32, #tpu.memory_space<smem>>
    return
  }
  func.func @transform_0(%arg0: i32) -> (i32, i32) {
    %c0_i32 = arith.constant 0 : i32
    %c0_i32_0 = arith.constant 0 : i32
    return %arg0, %c0_i32 : i32, i32
  }
  func.func @transform_1(%arg0: i32) -> (i32, i32) {
    %c0_i32 = arith.constant 0 : i32
    %c0_i32_0 = arith.constant 0 : i32
    return %arg0, %c0_i32 : i32, i32
  }
  func.func @transform_2(%arg0: i32) -> (i32, i32) {
    %c0_i32 = arith.constant 0 : i32
    %c0_i32_0 = arith.constant 0 : i32
    %c0_i32_1 = arith.constant 0 : i32
    return %c0_i32, %c0_i32_0 : i32, i32
  }
  func.func @transform_3(%arg0: i32) -> i32 {
    %c0_i32 = arith.constant 0 : i32
    %c0_i32_0 = arith.constant 0 : i32
    return %c0_i32 : i32
  }
  func.func @transform_4(%arg0: i32) -> (i32, i32) {
    %c0_i32 = arith.constant 0 : i32
    %c0_i32_0 = arith.constant 0 : i32
    %c0_i32_1 = arith.constant 0 : i32
    return %c0_i32, %c0_i32_0 : i32, i32
  }
  func.func @transform_5(%arg0: i32) -> i32 {
    %c0_i32 = arith.constant 0 : i32
    %c0_i32_0 = arith.constant 0 : i32
    return %c0_i32 : i32
  }
  func.func @transform_6(%arg0: i32) -> (i32, i32) {
    %c0_i32 = arith.constant 0 : i32
    %c0_i32_0 = arith.constant 0 : i32
    return %arg0, %c0_i32 : i32, i32
  }
  func.func @transform_7(%arg0: i32) -> (i32, i32) {
    %c0_i32 = arith.constant 0 : i32
    %c0_i32_0 = arith.constant 0 : i32
    %c0_i32_1 = arith.constant 0 : i32
    return %c0_i32, %c0_i32_0 : i32, i32
  }
}

</mosaic_0001>

<sc_bundles>
// kernel: kernel.7.cloned.1.call-start
scs
__scs_entry_jumppad:
0x0: {  	(pc) =	sbr.rel $0x88, $3  }
0x1: {  	(tag) =	ssettag $0x0;
	lr =	simm.s32 $0x1  }
0x2: {  	[smem:$0x3F97] =	sst lr;
	_ =	strace $0xD0000000  }
0x3: {  	_ = 	snop  }
0x4: {  	_ = 	snop  }
0x5: {  	_ = 	snop  }
0x6: {  	_ = 	snop  }
0x7: {  	_ = 	snop  }
__scs_overlays_trampoline_lowered:
0x8: {  	[smem:$0x3FA6] =	sst s0  }
0x9: {  	[smem:$0x3FA7] =	sst s1  }
0xa: {  	[smem:$0x3FA8] =	sst s2  }
0xb: {  	[smem:$0x3FA9] =	sst s3  }
0xc: {  	[smem:$0x3FAA] =	sst s4  }
0xd: {  	[smem:$0x3FAB] =	sst s5  }
0xe: {  	[smem:$0x3FAC] =	sst s6  }
0xf: {  	[smem:$0x3FAD] =	sst s7  }
0x10: {  	[smem:$0x3FAE] =	sst s8  }
0x11: {  	[smem:$0x3FAF] =	sst s9;
	s0 =	simm.s32 @!p0 $0x0  }
0x12: {  	s1 =	sld [smem:$0x3F95];
	s0 =	simm.s32 @p0 $0x1  }
0x13: {  	[smem:$0x3FB0] =	sst s0;
	s0 =	simm.s32 @!p1 $0x0  }
0x14: {  	s2 =	sld [smem:$0x3F94];
	s0 =	simm.s32 @p1 $0x1  }
0x15: {  	[smem:$0x3FB1] =	sst s0;
	s0 =	simm.s32 @!p2 $0x0  }
0x16: {  	s3 =	sld [smem:$0x3FDB];
	s0 =	simm.s32 @p2 $0x1  }
0x17: {  	s4 =	simm.s32 $0x1BF5;
	[smem:$0x3FB3] =	sst s0  }
0x18: {  	s0 =	sld [smem:$0x3F96];
	_ =	swait.ge [sflag:s4], $0x0  }
0x19: {  	s7 =	sld [smem:$0x3F97]  }
0x1a: {  	s8 =	sadd.s32 $0xFFFFE003, lr  }
0x1b: {  	s9 =	sadd.s32 $0xFFFFFEF7, lr;
	s5 =	simm.s32 $0xFFFFFFFF;
	p2 =	slt.u32 s8, $0xFFFFF086  }
0x1c: {  	p1 =	slt.u32 s9, $0xF7A;
	s5 =	simm.s32 @!p2 $0x0  }
0x1d: {  	s5 =	simm.s32 @p1 $0x1;
	p0 =	seq.s32 s7, s2  }
0x1e: {  	s7 =	smul.u32 @!p0 $0xF7A, s2;
	p2 =	seq.s32 @!p0 s5, $0x0  }
0x1f: {  	s9 =	smul.u32 $0xF7A, s1;
	s8 =	simm.s32 @!p0 $0x1BF5;
	p2 =	por !p2, p0  }
0x20: {  	[sflag:s8] =	ssyncset.s32 @!p0 $0xFFFFF086;
	s6 =	sadd.s32 @!p0 s3, s7;
	s7 =	simm.s32 @!p0 $0x108  }
0x21: {  	s3 =	sadd.s32 s3, s9;
	s6 =	sadd.s32 @!p0 $0x88, s6;
	s7 =	simm.s32 @p2 $0x1082  }
0x22: {  	[simem:s7], [sflag:s8] =	dma.local @!p0 [hbm:s6], $0xF7A  }
0x23: {  	s9 =	sor.u32 $0xD0000000, s2;
	s6 =	simm.s32 $0x108;
	_ =	swait.ge @!p0 [sflag:s8], $0x0  }
0x24: {  	s3 =	sadd.s32 $0x88, s3;
	s6 =	simm.s32 @!p1 $0x1082;
	[sflag:s4] =	ssyncset.s32 $0xFFFFF086  }
0x25: {  	[simem:s6], [sflag:s4] =	dma.local [hbm:s3], $0xF7A  }
0x26: {  	[smem:$0x3F97] =	sst s1;
	(tag) =	ssettag s2;
	_ =	strace s9  }
0x27: {  	s1 =	sld [smem:$0x3FA7]  }
0x28: {  	s2 =	sld [smem:$0x3FA8]  }
0x29: {  	s4 =	sld [smem:$0x3FAA]  }
0x2a: {  	p0 =	seq.s32 s5, $0x0;
	s5 =	sld [smem:$0x3FAB]  }
0x2b: {  	s6 =	sld [smem:$0x3FAC]  }
0x2c: {  	s7 =	sld [smem:$0x3FAD]  }
0x2d: {  	s3 =	simm.s32 $0x108;
	s8 =	sld [smem:$0x3FAE]  }
0x2e: {  	s3 =	simm.s32 @!p0 $0x1082;
	s9 =	sld [smem:$0x3FAF]  }
0x2f: {  	lr =	sadd.s32 s0, s3;
	s0 =	sld [smem:$0x3FA6]  }
0x30: {  	s3 =	sld [smem:$0x3FA9]  }
0x31: {  	[smem:$0x3FB2] =	sst s10  }
0x32: {  	s10 =	sld [smem:$0x3FB0];
	_ =	sdelay $0x3  }
0x33: {  	p0 =	seq.s32 s10, $0x1;
	s10 =	sld [smem:$0x3FB2];
	_ =	sdelay $0x3  }
0x34: {  	[smem:$0x3FB2] =	sst s10  }
0x35: {  	s10 =	sld [smem:$0x3FB1];
	_ =	sdelay $0x3  }
0x36: {  	p1 =	seq.s32 s10, $0x1;
	s10 =	sld [smem:$0x3FB2];
	_ =	sdelay $0x3  }
0x37: {  	[smem:$0x3FB2] =	sst s10  }
0x38: {  	s10 =	sld [smem:$0x3FB3]  }
0x39: {  	_ = 	snop;
	(pc) =	sbr.ind lr, $3  }
0x3a: {  	_ = 	snop  }
0x3b: {  	_ = 	snop  }
0x3c: {  	p2 =	seq.s32 s10, $0x1;
	s10 =	sld [smem:$0x3FB2]  }
0x3d: {  	_ =	shalt  }
0x3e: {  	_ =	shalt  }
0x3f: {  	_ =	shalt  }
0x40: {  	_ =	shalt  }
0x41: {  	_ =	shalt  }
0x42: {  	_ =	shalt  }
0x43: {  	_ =	shalt  }
0x44: {  	_ =	shalt  }
0x45: {  	_ =	shalt  }
0x46: {  	_ =	shalt  }
0x47: {  	_ =	shalt  }
0x48: {  	_ =	shalt  }
0x49: {  	_ =	shalt  }
0x4a: {  	_ =	shalt  }
0x4b: {  	_ =	shalt  }
0x4c: {  	_ =	shalt  }
0x4d: {  	_ =	shalt  }
0x4e: {  	_ =	shalt  }
0x4f: {  	_ =	shalt  }
0x50: {  	_ =	shalt  }
0x51: {  	_ =	shalt  }
0x52: {  	_ =	shalt  }
0x53: {  	_ =	shalt  }
0x54: {  	_ =	shalt  }
0x55: {  	_ =	shalt  }
0x56: {  	_ =	shalt  }
0x57: {  	_ =	shalt  }
0x58: {  	_ =	shalt  }
0x59: {  	_ =	shalt  }
0x5a: {  	_ =	shalt  }
0x5b: {  	_ =	shalt  }
0x5c: {  	_ =	shalt  }
0x5d: {  	_ =	shalt  }
0x5e: {  	_ =	shalt  }
0x5f: {  	_ =	shalt  }
0x60: {  	_ =	shalt  }
0x61: {  	_ =	shalt  }
0x62: {  	_ =	shalt  }
0x63: {  	_ =	shalt  }
0x64: {  	_ =	shalt  }
0x65: {  	_ =	shalt  }
0x66: {  	_ =	shalt  }
0x67: {  	_ =	shalt  }
0x68: {  	_ =	shalt  }
0x69: {  	_ =	shalt  }
0x6a: {  	_ =	shalt  }
0x6b: {  	_ =	shalt  }
0x6c: {  	_ =	shalt  }
0x6d: {  	_ =	shalt  }
0x6e: {  	_ =	shalt  }
0x6f: {  	_ =	shalt  }
0x70: {  	_ =	shalt  }
0x71: {  	_ =	shalt  }
0x72: {  	_ =	shalt  }
0x73: {  	_ =	shalt  }
0x74: {  	_ =	shalt  }
0x75: {  	_ =	shalt  }
0x76: {  	_ =	shalt  }
0x77: {  	_ =	shalt  }
0x78: {  	_ =	shalt  }
0x79: {  	_ =	shalt  }
0x7a: {  	_ =	shalt  }
0x7b: {  	_ =	shalt  }
0x7c: {  	_ =	shalt  }
0x7d: {  	_ =	shalt  }
0x7e: {  	_ =	shalt  }
0x7f: {  	_ =	shalt  }
0x80: {  	_ =	shalt  }
0x81: {  	_ =	shalt  }
0x82: {  	_ =	shalt  }
0x83: {  	_ =	shalt  }
0x84: {  	_ =	shalt  }
0x85: {  	_ =	shalt  }
0x86: {  	_ =	shalt  }
0x87: {  	_ =	shalt  }
.Lfunc_end0:
.L_simem_size_0:
called_computation_lowered:
.L_overlay_start_0:
0x88: {  	s2 =	sld [smem:$0x3FD9]  }
0x89: {  	s3 =	sld [smem:$0x3FFE];
	_ =	sdelay $0x1  }
0x8a: {  	s1 =	srdreg.scid  }
0x8b: {  	s0 =	sand.u32 $0x1, s1  }
0x8c: {  	s14 =	sshll.u32 s0, $0xA;
	s2 =	sadd.s32 s3, s2  }
0x8d: {  	s2 =	sadd.s32 s2, s14  }
0x8e: {  	[smem:$0x3FBE] =	sst s2  }
0x8f: {  	_ = 	snop  }
0x90: {  	s2 =	sld [smem:$0x3FD0];
	_ =	sdelay $0x2  }
0x91: {  	s4 =	simm.s32 $0xA;
	s5 =	simm.s32 $0x10;
	s15 =	sld [smem:$0x3FC4]  }
0x92: {  	[smem:s5], [sflag:s4] =	dma.local [hbm:s2], $0x1  }
0x93: {  	_ =	swait.eq [sflag:s4], $0x1  }
0x94: {  	[sflag:s4] =	ssyncset.done $0x0  }
0x95: {  	[sflag:s4] =	ssyncadd.s32 $0xFFFFFFFF  }
0x96: {  	s16 =	sld [smem:$0x10];
	(tm) =	ssettm $0x1  }
0x97: {  	s17 =	sld [smem:$0x3FFB];
	_ =	sdelay $0x3  }
0x98: {  	_ =	strace s17  }
0x99: {  	s4 =	sld [smem:$0x3FFC];
	_ =	sdelay $0x3  }
0x9a: {  	_ =	strace s4  }
0x9b: {  	s4 =	sld [smem:$0x3FFD];
	_ =	sdelay $0x3  }
0x9c: {  	_ =	strace s4  }
0x9d: {  	_ =	strace $0x8FFFFFFF  }
0x9e: {  	s18 =	sld [smem:$0x3FDB];
	_ =	sdelay $0x1  }
0x9f: {  	s19 =	simm.s32 $_scs_section_size  }
0xa0: {  	s6 =	simm.s32 $_size__tile_overlayer_lowered;
	s7 =	simm.s32 $_tile_overlayer_lowered  }
0xa1: {  	s22 =	simm.s32 $0x1BFF;
	s21 =	sshll.u32 s7, $0x1;
	s4 =	sadd.s32 s19, s18  }
0xa2: {  	s8 =	simm.s32 $0x0;
	s20 =	sshll.u32 s6, $0x1;
	s6 =	sadd.s32 s21, s4  }
0xa3: {  	[timem:s8], [sflag:s22] =	dma.local [hbm:s6], s20  }
0xa4: {  	_ =	swait.ge [sflag:s22], s20  }
0xa5: {  	s5 =	ssub.s32 $0x0, s20;
	[sflag:s22] =	ssyncset.done $0x0  }
0xa6: {  	[sflag:s22] =	ssyncadd.s32 s5;
	_ =	sdelay $0x1  }
0xa7: {  	s23 =	simm.s32 $0x1B8B  }
0xa8: {  	_ =	swait.ge [sflag:s23], $0x1  }
0xa9: {  	[sflag:s23] =	ssyncset.done $0x0  }
0xaa: {  	s25 =	simm.s32 $0x1B8E;
	s24 =	sld [smem:$0x3FFE];
	[sflag:s23] =	ssyncadd.s32 $0xFFFFFFFF  }
0xab: {  	s26 =	simm.s32 $execute0_lowered;
	[smem:$0x3FD2] =	sst s25  }
0xac: {  	s6 =	sshll.u32 s26, $0x1;
	_ =	strace $0x80000046;
	[dreg:$0x1] =	wrdreg $0xFFFFFFFF  }
0xad: {  	s28 =	simm.s32 $_size_execute0_lowered;
	s4 =	sadd.s32 s4, s6;
	[dreg:$0x0] =	wrdreg $0x0  }
0xae: {  	s6 =	sshll.u32 s28, $0x1;
	[dreg:$0x2] =	wrdreg s4  }
0xaf: {  	[dreg:$0x3] =	wrdreg s6  }
0xb0: {  	[dreg:$0x4] =	wrdreg $0xC0  }
0xb1: {  	_ =	task [dreg:s8], $0x5FFFF  }
0xb2: {  	[dreg:$0x1] =	wrdreg $0xFFFFFFFF  }
0xb3: {  	[dreg:$0x0] =	wrdreg $0x60  }
0xb4: {  	[dreg:$0x2] =	wrdreg s15  }
0xb5: {  	[dreg:$0x3] =	wrdreg s16  }
0xb6: {  	[dreg:$0x4] =	wrdreg s24  }
0xb7: {  	[dreg:$0x5] =	wrdreg $0x9  }
0xb8: {  	_ =	task.clear_ibuf [dreg:s8], $0x6FFFF;
	_ =	strace $0x90000046  }
0xb9: {  	s29 =	simm.s32 $0x9;
	_ =	strace $0x80000048  }
0xba: {  	_ =	swait.ge [sflag:s29], $0x1  }
0xbb: {  	[sflag:s29] =	ssyncadd.s32 $0xFFFFFFFF  }
0xbc: {  	_ =	strace $0x90000048  }
0xbd: {  	_ =	sfence  }
0xbe: {  	s30 =	sld [smem:$0x0];
	_ =	sdelay $0x2  }
0xbf: {  	s31 =	sshll.u32 s1, $0xD;
	s1 =	sshrl.u32 s1, $0x2  }
0xc0: {  	s3 =	sand.u32 $0x4000, s31;
	s1 =	sadd.s32 s1, s30  }
0xc1: {  	s0 =	sor.u32 s3, s0;
	s1 =	sshll.u32 s1, $0x11  }
0xc2: {  	s0 =	sor.u32 s1, s0  }
0xc3: {  	s0 =	sadd.s32 $0x8F2B, s0  }
0xc4: {  	[sflag:s0] =	ssyncadd.remote.s32 $0x1  }
0xc5: {  	_ =	sfence.sel $0xFFFF  }
0xc6: {  	[dreg:$0x0] =	wrdreg $0xFFFFFFFF;
	(pc) =	sbr.abs _section_cstart, $3  }
0xc7: {  	[dreg:$0x1] =	wrdreg $0xFFFFFFFF  }
0xc8: {  	_ =	task.clear_ibuf [dreg:s8], $0x2FFFF;
	_ =	strace $0x9FFFFFFF  }
0xc9: {  	(tm) =	ssettm $0x7FFFFFFF  }
tec
execute0_lowered:
.L_overlay_start_1:
0x0: {  	(tag) =	ssettag $0x1  }
0x1: {  	s1 =	rddreg [dreg:$0x0];
	s0 =	srdreg.scid  }
0x2: {  	s2 =	rddreg [dreg:$0x1];
	s3 =	stileid.u32;
	s0 =	sand.u32 $0x1, s0  }
0x3: {  	s4 =	rddreg [dreg:$0x2];
	s5 =	sshll.u32 s3, $0xB;
	s6 =	sshll.u32 s0, $0xA  }
0x4: {  	s28 =	simm.s32 $0x400;
	s12 =	simm.s32 $0x1;
	s5 =	sor.u32 s6, s5  }
0x5: {  	s3 =	simm.s32 $0x0;
	s6 =	sshll.u32 s5, $0x5;
	s5 =	sshrl.u32 s5, $0x3  }
0x6: {  	[smem:$0x7FF] =	sst s3;
	s4 =	sadd.s32 s6, s4;
	s2 =	sadd.s32 s2, s5  }
0x7: {  	_ =	strace $0x80000047;
	[dreg:$0x4] =	wrdreg s2;
	s25 =	sadd.s32 $0x101C00, s4  }
0x8: {  	s0 =	ssub.s32 $0x2, s0;
	s26 =	sadd.s32 $0x103C00, s4;
	[dreg:$0x5] =	wrdreg s25  }
0x9: {  	v2 =	vlaneseq.u32;
	s29 =	sshrl.u32 s0, $0x1;
	s30 =	sadd.s32 $0x105C00, s4;
	[dreg:$0x6] =	wrdreg s26  }
0xa: {  	vm0 =	vmmov $0xffff;
	v1 =	vshrl.u32 v2, $0x3;
	s0 =	ssub.s32 s0, s29;
	s31 =	sadd.s32 $0x107C00, s4;
	[dreg:$0x7] =	wrdreg s30  }
0xb: {  	v0 =	vand.u32 $0x7, v2;
	v2 =	vor.u32 $0x8, v2;
	v1 =	vmul.u32 $0x8, v1;
	s5 =	simm.s32 $0x2;
	s4 =	smax.u32 s0, $0x1;
	[dreg:$0x8] =	wrdreg s31  }
.LBB2_1:
0xc: {  	s13 =	rddreg [dreg:$0x4]  }
0xd: {  	[tilespmem:s3], [sflag:$0x2] =	stream.linear.gather [hbm4b:s13+s3], $0x400, $0x38;
	[tilespmem:$0x10400] =	vst v63  }
0xe: {  	_ =	swait.ge [sflag:s5], $0x400  }
0xf: {  	[sflag:s5] =	ssyncset.done $0x0  }
0x10: {  	[sflag:s5] =	ssyncadd.s32 $0xFFFFFC00  }
0x11: {  	v3 =	vld [tilespmem:$0x0];
	_ =	sdelay $0x4  }
0x12: {  	v4 =	vshll.u32 v3, $0x1  }
0x13: {  	v3 =	vand.u32 $0x7, v3;
	v4 =	vand.u32 $0xFFFFFFF0, v4  }
0x14: {  	v3 =	vor.u32 v3, v4  }
0x15: {  	v4 =	vperm.xlane v3, v0;
	_ =	sdelay $0x1  }
0x16: {  	v3 =	vperm.xlane v3, v2;
	v4 =	vadd.s32 v1, v4;
	_ =	sdelay $0x1  }
0x17: {  	v3 =	vadd.s32 v1, v3;
	_ =	sdelay $0x2  }
0x18: {  	[tilespmem:s28], [sflag:$0x1] =	stream.indirect_vreg.gather [hbm4b:s1+s3], $0x80, v4, vm0, $0xb8;
	[tilespmem:$0x10400] =	vst v63  }
0x19: {  	s0 =	simm.s32 $0xC00  }
0x1a: {  	[tilespmem:s0], [sflag:$0x1] =	stream.indirect_vreg.gather [hbm4b:s1+s3], $0x80, v3, vm0, $0xb8;
	[tilespmem:$0x10400] =	vst v63  }
0x1b: {  	v3 =	vld [tilespmem:$0x10];
	_ =	sdelay $0x4  }
0x1c: {  	v57 =	vshll.u32 v3, $0x1  }
0x1d: {  	v3 =	vand.u32 $0x7, v3;
	v4 =	vand.u32 $0xFFFFFFF0, v57  }
0x1e: {  	v3 =	vor.u32 v3, v4  }
0x1f: {  	v4 =	vperm.xlane v3, v0;
	_ =	sdelay $0x1  }
0x20: {  	v3 =	vperm.xlane v3, v2;
	v4 =	vadd.s32 v1, v4;
	_ =	sdelay $0x1  }
0x21: {  	v3 =	vadd.s32 v1, v3;
	_ =	sdelay $0x1  }
0x22: {  	s9 =	simm.s32 $0x1400  }
0x23: {  	[tilespmem:s9], [sflag:$0x1] =	stream.indirect_vreg.gather [hbm4b:s1+s3], $0x80, v4, vm0, $0xb8;
	[tilespmem:$0x10400] =	vst v63  }
0x24: {  	s10 =	simm.s32 $0x1C00  }
0x25: {  	[tilespmem:s10], [sflag:$0x1] =	stream.indirect_vreg.gather [hbm4b:s1+s3], $0x80, v3, vm0, $0xb8;
	[tilespmem:$0x10400] =	vst v63  }
0x26: {  	v3 =	vld [tilespmem:$0x20];
	_ =	sdelay $0x4  }
0x27: {  	v58 =	vshll.u32 v3, $0x1  }
0x28: {  	v3 =	vand.u32 $0x7, v3;
	v4 =	vand.u32 $0xFFFFFFF0, v58  }
0x29: {  	v3 =	vor.u32 v3, v4  }
0x2a: {  	v4 =	vperm.xlane v3, v0;
	_ =	sdelay $0x1  }
0x2b: {  	v3 =	vperm.xlane v3, v2;
	v4 =	vadd.s32 v1, v4;
	_ =	sdelay $0x1  }
0x2c: {  	v3 =	vadd.s32 v1, v3;
	_ =	sdelay $0x1  }
0x2d: {  	s11 =	simm.s32 $0x2400  }
0x2e: {  	[tilespmem:s11], [sflag:$0x1] =	stream.indirect_vreg.gather [hbm4b:s1+s3], $0x80, v4, vm0, $0xb8;
	[tilespmem:$0x10400] =	vst v63  }
0x2f: {  	s13 =	simm.s32 $0x2C00  }
0x30: {  	[tilespmem:s13], [sflag:$0x1] =	stream.indirect_vreg.gather [hbm4b:s1+s3], $0x80, v3, vm0, $0xb8;
	[tilespmem:$0x10400] =	vst v63  }
0x31: {  	v3 =	vld [tilespmem:$0x30];
	_ =	sdelay $0x4  }
0x32: {  	v59 =	vshll.u32 v3, $0x1  }
0x33: {  	v3 =	vand.u32 $0x7, v3;
	v4 =	vand.u32 $0xFFFFFFF0, v59  }
0x34: {  	v3 =	vor.u32 v3, v4  }
0x35: {  	v4 =	vperm.xlane v3, v0;
	_ =	sdelay $0x1  }
0x36: {  	v3 =	vperm.xlane v3, v2;
	v4 =	vadd.s32 v1, v4;
	_ =	sdelay $0x1  }
0x37: {  	v3 =	vadd.s32 v1, v3;
	_ =	sdelay $0x1  }
0x38: {  	s14 =	simm.s32 $0x3400  }
0x39: {  	[tilespmem:s14], [sflag:$0x1] =	stream.indirect_vreg.gather [hbm4b:s1+s3], $0x80, v4, vm0, $0xb8;
	[tilespmem:$0x10400] =	vst v63  }
0x3a: {  	s15 =	simm.s32 $0x3C00  }
0x3b: {  	[tilespmem:s15], [sflag:$0x1] =	stream.indirect_vreg.gather [hbm4b:s1+s3], $0x80, v3, vm0, $0xb8;
	[tilespmem:$0x10400] =	vst v63  }
0x3c: {  	v3 =	vld [tilespmem:$0x40];
	_ =	sdelay $0x4  }
0x3d: {  	v60 =	vshll.u32 v3, $0x1  }
0x3e: {  	v3 =	vand.u32 $0x7, v3;
	v4 =	vand.u32 $0xFFFFFFF0, v60  }
0x3f: {  	v3 =	vor.u32 v3, v4  }
0x40: {  	v4 =	vperm.xlane v3, v0;
	_ =	sdelay $0x1  }
0x41: {  	v3 =	vperm.xlane v3, v2;
	v4 =	vadd.s32 v1, v4;
	_ =	sdelay $0x1  }
0x42: {  	v3 =	vadd.s32 v1, v3;
	_ =	sdelay $0x1  }
0x43: {  	s16 =	simm.s32 $0x4400  }
0x44: {  	[tilespmem:s16], [sflag:$0x1] =	stream.indirect_vreg.gather [hbm4b:s1+s3], $0x80, v4, vm0, $0xb8;
	[tilespmem:$0x10400] =	vst v63  }
0x45: {  	s17 =	simm.s32 $0x4C00  }
0x46: {  	[tilespmem:s17], [sflag:$0x1] =	stream.indirect_vreg.gather [hbm4b:s1+s3], $0x80, v3, vm0, $0xb8;
	[tilespmem:$0x10400] =	vst v63  }
0x47: {  	v3 =	vld [tilespmem:$0x50];
	_ =	sdelay $0x4  }
0x48: {  	v61 =	vshll.u32 v3, $0x1  }
0x49: {  	v3 =	vand.u32 $0x7, v3;
	v4 =	vand.u32 $0xFFFFFFF0, v61  }
0x4a: {  	v3 =	vor.u32 v3, v4  }
0x4b: {  	v4 =	vperm.xlane v3, v0;
	_ =	sdelay $0x1  }
0x4c: {  	v3 =	vperm.xlane v3, v2;
	v4 =	vadd.s32 v1, v4;
	_ =	sdelay $0x1  }
0x4d: {  	v3 =	vadd.s32 v1, v3;
	_ =	sdelay $0x1  }
0x4e: {  	s18 =	simm.s32 $0x5400  }
0x4f: {  	[tilespmem:s18], [sflag:$0x1] =	stream.indirect_vreg.gather [hbm4b:s1+s3], $0x80, v4, vm0, $0xb8;
	[tilespmem:$0x10400] =	vst v63  }
0x50: {  	s19 =	simm.s32 $0x5C00  }
0x51: {  	[tilespmem:s19], [sflag:$0x1] =	stream.indirect_vreg.gather [hbm4b:s1+s3], $0x80, v3, vm0, $0xb8;
	[tilespmem:$0x10400] =	vst v63  }
0x52: {  	v3 =	vld [tilespmem:$0x60];
	_ =	sdelay $0x4  }
0x53: {  	v62 =	vshll.u32 v3, $0x1  }
0x54: {  	v3 =	vand.u32 $0x7, v3;
	v4 =	vand.u32 $0xFFFFFFF0, v62  }
0x55: {  	v3 =	vor.u32 v3, v4  }
0x56: {  	v4 =	vperm.xlane v3, v0;
	_ =	sdelay $0x1  }
0x57: {  	v3 =	vperm.xlane v3, v2;
	v4 =	vadd.s32 v1, v4;
	_ =	sdelay $0x1  }
0x58: {  	v3 =	vadd.s32 v1, v3;
	_ =	sdelay $0x1  }
0x59: {  	s20 =	simm.s32 $0x6400  }
0x5a: {  	[tilespmem:s20], [sflag:$0x1] =	stream.indirect_vreg.gather [hbm4b:s1+s3], $0x80, v4, vm0, $0xb8;
	[tilespmem:$0x10400] =	vst v63  }
0x5b: {  	s21 =	simm.s32 $0x6C00  }
0x5c: {  	[tilespmem:s21], [sflag:$0x1] =	stream.indirect_vreg.gather [hbm4b:s1+s3], $0x80, v3, vm0, $0xb8;
	[tilespmem:$0x10400] =	vst v63  }
0x5d: {  	v3 =	vld [tilespmem:$0x70];
	_ =	sdelay $0x4  }
0x5e: {  	v63 =	vshll.u32 v3, $0x1  }
0x5f: {  	v3 =	vand.u32 $0x7, v3;
	v4 =	vand.u32 $0xFFFFFFF0, v63  }
0x60: {  	v3 =	vor.u32 v3, v4  }
0x61: {  	v4 =	vperm.xlane v3, v0;
	_ =	sdelay $0x1  }
0x62: {  	v3 =	vperm.xlane v3, v2;
	v4 =	vadd.s32 v1, v4;
	_ =	sdelay $0x1  }
0x63: {  	v3 =	vadd.s32 v1, v3;
	_ =	sdelay $0x1  }
0x64: {  	s22 =	simm.s32 $0x7400  }
0x65: {  	[tilespmem:s22], [sflag:$0x1] =	stream.indirect_vreg.gather [hbm4b:s1+s3], $0x80, v4, vm0, $0xb8;
	[tilespmem:$0x10400] =	vst v63  }
0x66: {  	s23 =	simm.s32 $0x7C00  }
0x67: {  	[tilespmem:s23], [sflag:$0x1] =	stream.indirect_vreg.gather [hbm4b:s1+s3], $0x80, v3, vm0, $0xb8;
	[tilespmem:$0x10400] =	vst v63  }
0x68: {  	v3 =	vld [tilespmem:$0x80];
	_ =	sdelay $0x4  }
0x69: {  	v8 =	vshll.u32 v3, $0x1  }
0x6a: {  	v3 =	vand.u32 $0x7, v3;
	v4 =	vand.u32 $0xFFFFFFF0, v8  }
0x6b: {  	v3 =	vor.u32 v3, v4  }
0x6c: {  	v4 =	vperm.xlane v3, v0;
	_ =	sdelay $0x1  }
0x6d: {  	v3 =	vperm.xlane v3, v2;
	v4 =	vadd.s32 v1, v4;
	_ =	sdelay $0x1  }
0x6e: {  	v3 =	vadd.s32 v1, v3;
	_ =	sdelay $0x1  }
0x6f: {  	s24 =	simm.s32 $0x8400  }
0x70: {  	[tilespmem:s24], [sflag:$0x1] =	stream.indirect_vreg.gather [hbm4b:s1+s3], $0x80, v4, vm0, $0xb8;
	[tilespmem:$0x10400] =	vst v63  }
0x71: {  	s25 =	simm.s32 $0x8C00  }
0x72: {  	[tilespmem:s25], [sflag:$0x1] =	stream.indirect_vreg.gather [hbm4b:s1+s3], $0x80, v3, vm0, $0xb8;
	[tilespmem:$0x10400] =	vst v63  }
0x73: {  	v3 =	vld [tilespmem:$0x90];
	_ =	sdelay $0x4  }
0x74: {  	v9 =	vshll.u32 v3, $0x1  }
0x75: {  	v3 =	vand.u32 $0x7, v3;
	v4 =	vand.u32 $0xFFFFFFF0, v9  }
0x76: {  	v3 =	vor.u32 v3, v4  }
0x77: {  	v4 =	vperm.xlane v3, v0;
	_ =	sdelay $0x1  }
0x78: {  	v3 =	vperm.xlane v3, v2;
	v4 =	vadd.s32 v1, v4;
	_ =	sdelay $0x1  }
0x79: {  	v3 =	vadd.s32 v1, v3;
	_ =	sdelay $0x1  }
0x7a: {  	s26 =	simm.s32 $0x9400  }
0x7b: {  	[tilespmem:s26], [sflag:$0x1] =	stream.indirect_vreg.gather [hbm4b:s1+s3], $0x80, v4, vm0, $0xb8;
	[tilespmem:$0x10400] =	vst v63  }
0x7c: {  	s29 =	simm.s32 $0x9C00  }
0x7d: {  	[tilespmem:s29], [sflag:$0x1] =	stream.indirect_vreg.gather [hbm4b:s1+s3], $0x80, v3, vm0, $0xb8;
	[tilespmem:$0x10400] =	vst v63  }
0x7e: {  	v3 =	vld [tilespmem:$0xA0];
	_ =	sdelay $0x4  }
0x7f: {  	v10 =	vshll.u32 v3, $0x1  }
0x80: {  	v3 =	vand.u32 $0x7, v3;
	v4 =	vand.u32 $0xFFFFFFF0, v10  }
0x81: {  	v3 =	vor.u32 v3, v4  }
0x82: {  	v4 =	vperm.xlane v3, v0;
	_ =	sdelay $0x1  }
0x83: {  	v3 =	vperm.xlane v3, v2;
	v4 =	vadd.s32 v1, v4;
	_ =	sdelay $0x1  }
0x84: {  	v3 =	vadd.s32 v1, v3;
	_ =	sdelay $0x1  }
0x85: {  	s30 =	simm.s32 $0xA400  }
0x86: {  	[tilespmem:s30], [sflag:$0x1] =	stream.indirect_vreg.gather [hbm4b:s1+s3], $0x80, v4, vm0, $0xb8;
	[tilespmem:$0x10400] =	vst v63  }
0x87: {  	s31 =	simm.s32 $0xAC00  }
0x88: {  	[tilespmem:s31], [sflag:$0x1] =	stream.indirect_vreg.gather [hbm4b:s1+s3], $0x80, v3, vm0, $0xb8;
	[tilespmem:$0x10400] =	vst v63  }
0x89: {  	v3 =	vld [tilespmem:$0xB0];
	_ =	sdelay $0x4  }
0x8a: {  	v11 =	vshll.u32 v3, $0x1  }
0x8b: {  	v3 =	vand.u32 $0x7, v3;
	v4 =	vand.u32 $0xFFFFFFF0, v11  }
0x8c: {  	v3 =	vor.u32 v3, v4  }
0x8d: {  	v4 =	vperm.xlane v3, v0;
	_ =	sdelay $0x1  }
0x8e: {  	v3 =	vperm.xlane v3, v2;
	v4 =	vadd.s32 v1, v4;
	_ =	sdelay $0x1  }
0x8f: {  	v3 =	vadd.s32 v1, v3;
	_ =	sdelay $0x1  }
0x90: {  	s9 =	simm.s32 $0xB400  }
0x91: {  	[tilespmem:s9], [sflag:$0x1] =	stream.indirect_vreg.gather [hbm4b:s1+s3], $0x80, v4, vm0, $0xb8;
	[tilespmem:$0x10400] =	vst v63  }
0x92: {  	s11 =	simm.s32 $0xBC00  }
0x93: {  	[tilespmem:s11], [sflag:$0x1] =	stream.indirect_vreg.gather [hbm4b:s1+s3], $0x80, v3, vm0, $0xb8;
	[tilespmem:$0x10400] =	vst v63  }
0x94: {  	v3 =	vld [tilespmem:$0xC0];
	_ =	sdelay $0x4  }
0x95: {  	v12 =	vshll.u32 v3, $0x1  }
0x96: {  	v3 =	vand.u32 $0x7, v3;
	v4 =	vand.u32 $0xFFFFFFF0, v12  }
0x97: {  	v3 =	vor.u32 v3, v4  }
0x98: {  	v4 =	vperm.xlane v3, v0;
	_ =	sdelay $0x1  }
0x99: {  	v3 =	vperm.xlane v3, v2;
	v4 =	vadd.s32 v1, v4;
	_ =	sdelay $0x1  }
0x9a: {  	v3 =	vadd.s32 v1, v3;
	_ =	sdelay $0x1  }
0x9b: {  	s13 =	simm.s32 $0xC400  }
0x9c: {  	[tilespmem:s13], [sflag:$0x1] =	stream.indirect_vreg.gather [hbm4b:s1+s3], $0x80, v4, vm0, $0xb8;
	[tilespmem:$0x10400] =	vst v63  }
0x9d: {  	s14 =	simm.s32 $0xCC00  }
0x9e: {  	[tilespmem:s14], [sflag:$0x1] =	stream.indirect_vreg.gather [hbm4b:s1+s3], $0x80, v3, vm0, $0xb8;
	[tilespmem:$0x10400] =	vst v63  }
0x9f: {  	v3 =	vld [tilespmem:$0xD0];
	_ =	sdelay $0x4  }
0xa0: {  	v13 =	vshll.u32 v3, $0x1  }
0xa1: {  	v3 =	vand.u32 $0x7, v3;
	v4 =	vand.u32 $0xFFFFFFF0, v13  }
0xa2: {  	v3 =	vor.u32 v3, v4  }
0xa3: {  	v4 =	vperm.xlane v3, v0;
	_ =	sdelay $0x1  }
0xa4: {  	v3 =	vperm.xlane v3, v2;
	v4 =	vadd.s32 v1, v4;
	_ =	sdelay $0x1  }
0xa5: {  	v3 =	vadd.s32 v1, v3;
	_ =	sdelay $0x1  }
0xa6: {  	s15 =	simm.s32 $0xD400  }
0xa7: {  	[tilespmem:s15], [sflag:$0x1] =	stream.indirect_vreg.gather [hbm4b:s1+s3], $0x80, v4, vm0, $0xb8;
	[tilespmem:$0x10400] =	vst v63  }
0xa8: {  	s16 =	simm.s32 $0xDC00  }
0xa9: {  	[tilespmem:s16], [sflag:$0x1] =	stream.indirect_vreg.gather [hbm4b:s1+s3], $0x80, v3, vm0, $0xb8;
	[tilespmem:$0x10400] =	vst v63  }
0xaa: {  	v3 =	vld [tilespmem:$0xE0];
	_ =	sdelay $0x4  }
0xab: {  	v14 =	vshll.u32 v3, $0x1  }
0xac: {  	v3 =	vand.u32 $0x7, v3;
	v4 =	vand.u32 $0xFFFFFFF0, v14  }
0xad: {  	v3 =	vor.u32 v3, v4  }
0xae: {  	v4 =	vperm.xlane v3, v0;
	_ =	sdelay $0x1  }
0xaf: {  	v3 =	vperm.xlane v3, v2;
	v4 =	vadd.s32 v1, v4;
	_ =	sdelay $0x1  }
0xb0: {  	v3 =	vadd.s32 v1, v3;
	_ =	sdelay $0x1  }
0xb1: {  	s18 =	simm.s32 $0xE400  }
0xb2: {  	[tilespmem:s18], [sflag:$0x1] =	stream.indirect_vreg.gather [hbm4b:s1+s3], $0x80, v4, vm0, $0xb8;
	[tilespmem:$0x10400] =	vst v63  }
0xb3: {  	s19 =	simm.s32 $0xEC00  }
0xb4: {  	[tilespmem:s19], [sflag:$0x1] =	stream.indirect_vreg.gather [hbm4b:s1+s3], $0x80, v3, vm0, $0xb8;
	[tilespmem:$0x10400] =	vst v63  }
0xb5: {  	v3 =	vld [tilespmem:$0xF0];
	_ =	sdelay $0x4  }
0xb6: {  	v15 =	vshll.u32 v3, $0x1  }
0xb7: {  	v3 =	vand.u32 $0x7, v3;
	v4 =	vand.u32 $0xFFFFFFF0, v15  }
0xb8: {  	v3 =	vor.u32 v3, v4  }
0xb9: {  	v4 =	vperm.xlane v3, v0;
	_ =	sdelay $0x1  }
0xba: {  	v3 =	vperm.xlane v3, v2;
	v4 =	vadd.s32 v1, v4;
	_ =	sdelay $0x1  }
0xbb: {  	v3 =	vadd.s32 v1, v3;
	_ =	sdelay $0x1  }
0xbc: {  	s20 =	simm.s32 $0xF400  }
0xbd: {  	[tilespmem:s20], [sflag:$0x1] =	stream.indirect_vreg.gather [hbm4b:s1+s3], $0x80, v4, vm0, $0xb8;
	[tilespmem:$0x10400] =	vst v63  }
0xbe: {  	s21 =	simm.s32 $0xFC00  }
0xbf: {  	[tilespmem:s21], [sflag:$0x1] =	stream.indirect_vreg.gather [hbm4b:s1+s3], $0x80, v3, vm0, $0xb8;
	[tilespmem:$0x10400] =	vst v63  }
0xc0: {  	_ =	swait.ge [sflag:s12], $0x10000  }
0xc1: {  	[sflag:s12] =	ssyncset.done $0x0  }
0xc2: {  	s22 =	rddreg [dreg:$0x5];
	[sflag:s12] =	ssyncadd.s32 $0xFFFF0000  }
0xc3: {  	[hbm4b:s22+s3] =	stream.linear.scatter [tilespmem:s28], [sflag:$0x2], $0x10000, $0x38;
	[tilespmem:$0x10400] =	vst v63  }
0xc4: {  	_ =	swait.ge [sflag:s5], $0x10000  }
0xc5: {  	[sflag:s5] =	ssyncset.done $0x0  }
0xc6: {  	[sflag:s5] =	ssyncadd.s32 $0xFFFF0000  }
0xc7: {  	v3 =	vld [tilespmem:$0x100];
	_ =	sdelay $0x4  }
0xc8: {  	v16 =	vshll.u32 v3, $0x1  }
0xc9: {  	v3 =	vand.u32 $0x7, v3;
	v4 =	vand.u32 $0xFFFFFFF0, v16  }
0xca: {  	v3 =	vor.u32 v3, v4  }
0xcb: {  	v4 =	vperm.xlane v3, v0;
	_ =	sdelay $0x1  }
0xcc: {  	v3 =	vperm.xlane v3, v2;
	v4 =	vadd.s32 v1, v4;
	_ =	sdelay $0x1  }
0xcd: {  	v3 =	vadd.s32 v1, v3;
	_ =	sdelay $0x2  }
0xce: {  	[tilespmem:s28], [sflag:$0x1] =	stream.indirect_vreg.gather [hbm4b:s1+s3], $0x80, v4, vm0, $0xb8;
	[tilespmem:$0x10400] =	vst v63  }
0xcf: {  	s6 =	simm.s32 $0xC00  }
0xd0: {  	[tilespmem:s6], [sflag:$0x1] =	stream.indirect_vreg.gather [hbm4b:s1+s3], $0x80, v3, vm0, $0xb8;
	[tilespmem:$0x10400] =	vst v63  }
0xd1: {  	v3 =	vld [tilespmem:$0x110];
	_ =	sdelay $0x4  }
0xd2: {  	v17 =	vshll.u32 v3, $0x1  }
0xd3: {  	v3 =	vand.u32 $0x7, v3;
	v4 =	vand.u32 $0xFFFFFFF0, v17  }
0xd4: {  	v3 =	vor.u32 v3, v4  }
0xd5: {  	v4 =	vperm.xlane v3, v0;
	_ =	sdelay $0x1  }
0xd6: {  	v3 =	vperm.xlane v3, v2;
	v4 =	vadd.s32 v1, v4;
	_ =	sdelay $0x1  }
0xd7: {  	v3 =	vadd.s32 v1, v3;
	_ =	sdelay $0x1  }
0xd8: {  	s2 =	simm.s32 $0x1400  }
0xd9: {  	[tilespmem:s2], [sflag:$0x1] =	stream.indirect_vreg.gather [hbm4b:s1+s3], $0x80, v4, vm0, $0xb8;
	[tilespmem:$0x10400] =	vst v63  }
0xda: {  	s8 =	simm.s32 $0x1C00  }
0xdb: {  	[tilespmem:s8], [sflag:$0x1] =	stream.indirect_vreg.gather [hbm4b:s1+s3], $0x80, v3, vm0, $0xb8;
	[tilespmem:$0x10400] =	vst v63  }
0xdc: {  	v3 =	vld [tilespmem:$0x120];
	_ =	sdelay $0x4  }
0xdd: {  	v18 =	vshll.u32 v3, $0x1  }
0xde: {  	v3 =	vand.u32 $0x7, v3;
	v4 =	vand.u32 $0xFFFFFFF0, v18  }
0xdf: {  	v3 =	vor.u32 v3, v4  }
0xe0: {  	v4 =	vperm.xlane v3, v0;
	_ =	sdelay $0x1  }
0xe1: {  	v3 =	vperm.xlane v3, v2;
	v4 =	vadd.s32 v1, v4;
	_ =	sdelay $0x1  }
0xe2: {  	v3 =	vadd.s32 v1, v3;
	_ =	sdelay $0x1  }
0xe3: {  	s6 =	simm.s32 $0x2400  }
0xe4: {  	[tilespmem:s6], [sflag:$0x1] =	stream.indirect_vreg.gather [hbm4b:s1+s3], $0x80, v4, vm0, $0xb8;
	[tilespmem:$0x10400] =	vst v63  }
0xe5: {  	s9 =	simm.s32 $0x2C00  }
0xe6: {  	[tilespmem:s9], [sflag:$0x1] =	stream.indirect_vreg.gather [hbm4b:s1+s3], $0x80, v3, vm0, $0xb8;
	[tilespmem:$0x10400] =	vst v63  }
0xe7: {  	v3 =	vld [tilespmem:$0x130];
	_ =	sdelay $0x4  }
0xe8: {  	v19 =	vshll.u32 v3, $0x1  }
0xe9: {  	v3 =	vand.u32 $0x7, v3;
	v4 =	vand.u32 $0xFFFFFFF0, v19  }
0xea: {  	v3 =	vor.u32 v3, v4  }
0xeb: {  	v4 =	vperm.xlane v3, v0;
	_ =	sdelay $0x1  }
0xec: {  	v3 =	vperm.xlane v3, v2;
	v4 =	vadd.s32 v1, v4;
	_ =	sdelay $0x1  }
0xed: {  	v3 =	vadd.s32 v1, v3;
	_ =	sdelay $0x1  }
0xee: {  	s7 =	simm.s32 $0x3400  }
0xef: {  	[tilespmem:s7], [sflag:$0x1] =	stream.indirect_vreg.gather [hbm4b:s1+s3], $0x80, v4, vm0, $0xb8;
	[tilespmem:$0x10400] =	vst v63  }
0xf0: {  	s10 =	simm.s32 $0x3C00  }
0xf1: {  	[tilespmem:s10], [sflag:$0x1] =	stream.indirect_vreg.gather [hbm4b:s1+s3], $0x80, v3, vm0, $0xb8;
	[tilespmem:$0x10400] =	vst v63  }
0xf2: {  	v3 =	vld [tilespmem:$0x140];
	_ =	sdelay $0x4  }
0xf3: {  	v20 =	vshll.u32 v3, $0x1  }
0xf4: {  	v3 =	vand.u32 $0x7, v3;
	v4 =	vand.u32 $0xFFFFFFF0, v20  }
0xf5: {  	v3 =	vor.u32 v3, v4  }
0xf6: {  	v4 =	vperm.xlane v3, v0;
	_ =	sdelay $0x1  }
0xf7: {  	v3 =	vperm.xlane v3, v2;
	v4 =	vadd.s32 v1, v4;
	_ =	sdelay $0x1  }
0xf8: {  	v3 =	vadd.s32 v1, v3;
	_ =	sdelay $0x1  }
0xf9: {  	s10 =	simm.s32 $0x4400  }
0xfa: {  	[tilespmem:s10], [sflag:$0x1] =	stream.indirect_vreg.gather [hbm4b:s1+s3], $0x80, v4, vm0, $0xb8;
	[tilespmem:$0x10400] =	vst v63  }
0xfb: {  	s11 =	simm.s32 $0x4C00  }
0xfc: {  	[tilespmem:s11], [sflag:$0x1] =	stream.indirect_vreg.gather [hbm4b:s1+s3], $0x80, v3, vm0, $0xb8;
	[tilespmem:$0x10400] =	vst v63  }
0xfd: {  	v3 =	vld [tilespmem:$0x150];
	_ =	sdelay $0x4  }
0xfe: {  	v21 =	vshll.u32 v3, $0x1  }
0xff: {  	v3 =	vand.u32 $0x7, v3;
	v4 =	vand.u32 $0xFFFFFFF0, v21  }
0x100: {  	v3 =	vor.u32 v3, v4  }
0x101: {  	v4 =	vperm.xlane v3, v0;
	_ =	sdelay $0x1  }
0x102: {  	v3 =	vperm.xlane v3, v2;
	v4 =	vadd.s32 v1, v4;
	_ =	sdelay $0x1  }
0x103: {  	v3 =	vadd.s32 v1, v3;
	_ =	sdelay $0x1  }
0x104: {  	s14 =	simm.s32 $0x5400  }
0x105: {  	[tilespmem:s14], [sflag:$0x1] =	stream.indirect_vreg.gather [hbm4b:s1+s3], $0x80, v4, vm0, $0xb8;
	[tilespmem:$0x10400] =	vst v63  }
0x106: {  	s15 =	simm.s32 $0x5C00  }
0x107: {  	[tilespmem:s15], [sflag:$0x1] =	stream.indirect_vreg.gather [hbm4b:s1+s3], $0x80, v3, vm0, $0xb8;
	[tilespmem:$0x10400] =	vst v63  }
0x108: {  	v3 =	vld [tilespmem:$0x160];
	_ =	sdelay $0x4  }
0x109: {  	v22 =	vshll.u32 v3, $0x1  }
0x10a: {  	v3 =	vand.u32 $0x7, v3;
	v4 =	vand.u32 $0xFFFFFFF0, v22  }
0x10b: {  	v3 =	vor.u32 v3, v4  }
0x10c: {  	v4 =	vperm.xlane v3, v0;
	_ =	sdelay $0x1  }
0x10d: {  	v3 =	vperm.xlane v3, v2;
	v4 =	vadd.s32 v1, v4;
	_ =	sdelay $0x1  }
0x10e: {  	v3 =	vadd.s32 v1, v3;
	_ =	sdelay $0x1  }
0x10f: {  	s16 =	simm.s32 $0x6400  }
0x110: {  	[tilespmem:s16], [sflag:$0x1] =	stream.indirect_vreg.gather [hbm4b:s1+s3], $0x80, v4, vm0, $0xb8;
	[tilespmem:$0x10400] =	vst v63  }
0x111: {  	s18 =	simm.s32 $0x6C00  }
0x112: {  	[tilespmem:s18], [sflag:$0x1] =	stream.indirect_vreg.gather [hbm4b:s1+s3], $0x80, v3, vm0, $0xb8;
	[tilespmem:$0x10400] =	vst v63  }
0x113: {  	v3 =	vld [tilespmem:$0x170];
	_ =	sdelay $0x4  }
0x114: {  	v23 =	vshll.u32 v3, $0x1  }
0x115: {  	v3 =	vand.u32 $0x7, v3;
	v4 =	vand.u32 $0xFFFFFFF0, v23  }
0x116: {  	v3 =	vor.u32 v3, v4  }
0x117: {  	v4 =	vperm.xlane v3, v0;
	_ =	sdelay $0x1  }
0x118: {  	v3 =	vperm.xlane v3, v2;
	v4 =	vadd.s32 v1, v4;
	_ =	sdelay $0x1  }
0x119: {  	v3 =	vadd.s32 v1, v3;
	_ =	sdelay $0x1  }
0x11a: {  	s19 =	simm.s32 $0x7400  }
0x11b: {  	[tilespmem:s19], [sflag:$0x1] =	stream.indirect_vreg.gather [hbm4b:s1+s3], $0x80, v4, vm0, $0xb8;
	[tilespmem:$0x10400] =	vst v63  }
0x11c: {  	s20 =	simm.s32 $0x7C00  }
0x11d: {  	[tilespmem:s20], [sflag:$0x1] =	stream.indirect_vreg.gather [hbm4b:s1+s3], $0x80, v3, vm0, $0xb8;
	[tilespmem:$0x10400] =	vst v63  }
0x11e: {  	v3 =	vld [tilespmem:$0x180];
	_ =	sdelay $0x4  }
0x11f: {  	v24 =	vshll.u32 v3, $0x1  }
0x120: {  	v3 =	vand.u32 $0x7, v3;
	v4 =	vand.u32 $0xFFFFFFF0, v24  }
0x121: {  	v3 =	vor.u32 v3, v4  }
0x122: {  	v4 =	vperm.xlane v3, v0;
	_ =	sdelay $0x1  }
0x123: {  	v3 =	vperm.xlane v3, v2;
	v4 =	vadd.s32 v1, v4;
	_ =	sdelay $0x1  }
0x124: {  	v3 =	vadd.s32 v1, v3;
	_ =	sdelay $0x1  }
0x125: {  	s21 =	simm.s32 $0x8400  }
0x126: {  	[tilespmem:s21], [sflag:$0x1] =	stream.indirect_vreg.gather [hbm4b:s1+s3], $0x80, v4, vm0, $0xb8;
	[tilespmem:$0x10400] =	vst v63  }
0x127: {  	s22 =	simm.s32 $0x8C00  }
0x128: {  	[tilespmem:s22], [sflag:$0x1] =	stream.indirect_vreg.gather [hbm4b:s1+s3], $0x80, v3, vm0, $0xb8;
	[tilespmem:$0x10400] =	vst v63  }
0x129: {  	v3 =	vld [tilespmem:$0x190];
	_ =	sdelay $0x4  }
0x12a: {  	v25 =	vshll.u32 v3, $0x1  }
0x12b: {  	v3 =	vand.u32 $0x7, v3;
	v4 =	vand.u32 $0xFFFFFFF0, v25  }
0x12c: {  	v3 =	vor.u32 v3, v4  }
0x12d: {  	v4 =	vperm.xlane v3, v0;
	_ =	sdelay $0x1  }
0x12e: {  	v3 =	vperm.xlane v3, v2;
	v4 =	vadd.s32 v1, v4;
	_ =	sdelay $0x1  }
0x12f: {  	v3 =	vadd.s32 v1, v3;
	_ =	sdelay $0x1  }
0x130: {  	s0 =	simm.s32 $0x9400  }
0x131: {  	[tilespmem:s0], [sflag:$0x1] =	stream.indirect_vreg.gather [hbm4b:s1+s3], $0x80, v4, vm0, $0xb8;
	[tilespmem:$0x10400] =	vst v63  }
0x132: {  	s7 =	simm.s32 $0x9C00  }
0x133: {  	[tilespmem:s7], [sflag:$0x1] =	stream.indirect_vreg.gather [hbm4b:s1+s3], $0x80, v3, vm0, $0xb8;
	[tilespmem:$0x10400] =	vst v63  }
0x134: {  	v3 =	vld [tilespmem:$0x1A0];
	_ =	sdelay $0x4  }
0x135: {  	v26 =	vshll.u32 v3, $0x1  }
0x136: {  	v3 =	vand.u32 $0x7, v3;
	v4 =	vand.u32 $0xFFFFFFF0, v26  }
0x137: {  	v3 =	vor.u32 v3, v4  }
0x138: {  	v4 =	vperm.xlane v3, v0;
	_ =	sdelay $0x1  }
0x139: {  	v3 =	vperm.xlane v3, v2;
	v4 =	vadd.s32 v1, v4;
	_ =	sdelay $0x1  }
0x13a: {  	v3 =	vadd.s32 v1, v3;
	_ =	sdelay $0x1  }
0x13b: {  	s2 =	simm.s32 $0xA400  }
0x13c: {  	[tilespmem:s2], [sflag:$0x1] =	stream.indirect_vreg.gather [hbm4b:s1+s3], $0x80, v4, vm0, $0xb8;
	[tilespmem:$0x10400] =	vst v63  }
0x13d: {  	s8 =	simm.s32 $0xAC00  }
0x13e: {  	[tilespmem:s8], [sflag:$0x1] =	stream.indirect_vreg.gather [hbm4b:s1+s3], $0x80, v3, vm0, $0xb8;
	[tilespmem:$0x10400] =	vst v63  }
0x13f: {  	v3 =	vld [tilespmem:$0x1B0];
	_ =	sdelay $0x4  }
0x140: {  	v27 =	vshll.u32 v3, $0x1  }
0x141: {  	v3 =	vand.u32 $0x7, v3;
	v4 =	vand.u32 $0xFFFFFFF0, v27  }
0x142: {  	v3 =	vor.u32 v3, v4  }
0x143: {  	v4 =	vperm.xlane v3, v0;
	_ =	sdelay $0x1  }
0x144: {  	v3 =	vperm.xlane v3, v2;
	v4 =	vadd.s32 v1, v4;
	_ =	sdelay $0x1  }
0x145: {  	v3 =	vadd.s32 v1, v3;
	_ =	sdelay $0x1  }
0x146: {  	s17 =	simm.s32 $0xB400  }
0x147: {  	[tilespmem:s17], [sflag:$0x1] =	stream.indirect_vreg.gather [hbm4b:s1+s3], $0x80, v4, vm0, $0xb8;
	[tilespmem:$0x10400] =	vst v63  }
0x148: {  	s17 =	simm.s32 $0xBC00  }
0x149: {  	[tilespmem:s17], [sflag:$0x1] =	stream.indirect_vreg.gather [hbm4b:s1+s3], $0x80, v3, vm0, $0xb8;
	[tilespmem:$0x10400] =	vst v63  }
0x14a: {  	v3 =	vld [tilespmem:$0x1C0];
	_ =	sdelay $0x4  }
0x14b: {  	v28 =	vshll.u32 v3, $0x1  }
0x14c: {  	v3 =	vand.u32 $0x7, v3;
	v4 =	vand.u32 $0xFFFFFFF0, v28  }
0x14d: {  	v3 =	vor.u32 v3, v4  }
0x14e: {  	v4 =	vperm.xlane v3, v0;
	_ =	sdelay $0x1  }
0x14f: {  	v3 =	vperm.xlane v3, v2;
	v4 =	vadd.s32 v1, v4;
	_ =	sdelay $0x1  }
0x150: {  	v3 =	vadd.s32 v1, v3;
	_ =	sdelay $0x1  }
0x151: {  	s30 =	simm.s32 $0xC400  }
0x152: {  	[tilespmem:s30], [sflag:$0x1] =	stream.indirect_vreg.gather [hbm4b:s1+s3], $0x80, v4, vm0, $0xb8;
	[tilespmem:$0x10400] =	vst v63  }
0x153: {  	s23 =	simm.s32 $0xCC00  }
0x154: {  	[tilespmem:s23], [sflag:$0x1] =	stream.indirect_vreg.gather [hbm4b:s1+s3], $0x80, v3, vm0, $0xb8;
	[tilespmem:$0x10400] =	vst v63  }
0x155: {  	v3 =	vld [tilespmem:$0x1D0];
	_ =	sdelay $0x4  }
0x156: {  	v29 =	vshll.u32 v3, $0x1  }
0x157: {  	v3 =	vand.u32 $0x7, v3;
	v4 =	vand.u32 $0xFFFFFFF0, v29  }
0x158: {  	v3 =	vor.u32 v3, v4  }
0x159: {  	v4 =	vperm.xlane v3, v0;
	_ =	sdelay $0x1  }
0x15a: {  	v3 =	vperm.xlane v3, v2;
	v4 =	vadd.s32 v1, v4;
	_ =	sdelay $0x1  }
0x15b: {  	v3 =	vadd.s32 v1, v3;
	_ =	sdelay $0x1  }
0x15c: {  	s31 =	simm.s32 $0xD400  }
0x15d: {  	[tilespmem:s31], [sflag:$0x1] =	stream.indirect_vreg.gather [hbm4b:s1+s3], $0x80, v4, vm0, $0xb8;
	[tilespmem:$0x10400] =	vst v63  }
0x15e: {  	s24 =	simm.s32 $0xDC00  }
0x15f: {  	[tilespmem:s24], [sflag:$0x1] =	stream.indirect_vreg.gather [hbm4b:s1+s3], $0x80, v3, vm0, $0xb8;
	[tilespmem:$0x10400] =	vst v63  }
0x160: {  	v3 =	vld [tilespmem:$0x1E0];
	_ =	sdelay $0x4  }
0x161: {  	v30 =	vshll.u32 v3, $0x1  }
0x162: {  	v3 =	vand.u32 $0x7, v3;
	v4 =	vand.u32 $0xFFFFFFF0, v30  }
0x163: {  	v3 =	vor.u32 v3, v4  }
0x164: {  	v4 =	vperm.xlane v3, v0;
	_ =	sdelay $0x1  }
0x165: {  	v3 =	vperm.xlane v3, v2;
	v4 =	vadd.s32 v1, v4;
	_ =	sdelay $0x1  }
0x166: {  	v3 =	vadd.s32 v1, v3;
	_ =	sdelay $0x1  }
0x167: {  	s24 =	simm.s32 $0xE400  }
0x168: {  	[tilespmem:s24], [sflag:$0x1] =	stream.indirect_vreg.gather [hbm4b:s1+s3], $0x80, v4, vm0, $0xb8;
	[tilespmem:$0x10400] =	vst v63  }
0x169: {  	s25 =	simm.s32 $0xEC00  }
0x16a: {  	[tilespmem:s25], [sflag:$0x1] =	stream.indirect_vreg.gather [hbm4b:s1+s3], $0x80, v3, vm0, $0xb8;
	[tilespmem:$0x10400] =	vst v63  }
0x16b: {  	v3 =	vld [tilespmem:$0x1F0];
	_ =	sdelay $0x4  }
0x16c: {  	v31 =	vshll.u32 v3, $0x1  }
0x16d: {  	v3 =	vand.u32 $0x7, v3;
	v4 =	vand.u32 $0xFFFFFFF0, v31  }
0x16e: {  	v3 =	vor.u32 v3, v4  }
0x16f: {  	v4 =	vperm.xlane v3, v0;
	_ =	sdelay $0x1  }
0x170: {  	v3 =	vperm.xlane v3, v2;
	v4 =	vadd.s32 v1, v4;
	_ =	sdelay $0x1  }
0x171: {  	v3 =	vadd.s32 v1, v3;
	_ =	sdelay $0x1  }
0x172: {  	s25 =	simm.s32 $0xF400  }
0x173: {  	[tilespmem:s25], [sflag:$0x1] =	stream.indirect_vreg.gather [hbm4b:s1+s3], $0x80, v4, vm0, $0xb8;
	[tilespmem:$0x10400] =	vst v63  }
0x174: {  	s26 =	simm.s32 $0xFC00  }
0x175: {  	[tilespmem:s26], [sflag:$0x1] =	stream.indirect_vreg.gather [hbm4b:s1+s3], $0x80, v3, vm0, $0xb8;
	[tilespmem:$0x10400] =	vst v63  }
0x176: {  	_ =	swait.ge [sflag:s12], $0x10000  }
0x177: {  	[sflag:s12] =	ssyncset.done $0x0  }
0x178: {  	s23 =	rddreg [dreg:$0x6];
	[sflag:s12] =	ssyncadd.s32 $0xFFFF0000  }
0x179: {  	[hbm4b:s23+s3] =	stream.linear.scatter [tilespmem:s28], [sflag:$0x2], $0x10000, $0x38;
	[tilespmem:$0x10400] =	vst v63  }
0x17a: {  	_ =	swait.ge [sflag:s5], $0x10000  }
0x17b: {  	[sflag:s5] =	ssyncset.done $0x0  }
0x17c: {  	[sflag:s5] =	ssyncadd.s32 $0xFFFF0000  }
0x17d: {  	v3 =	vld [tilespmem:$0x200];
	_ =	sdelay $0x4  }
0x17e: {  	v32 =	vshll.u32 v3, $0x1  }
0x17f: {  	v3 =	vand.u32 $0x7, v3;
	v4 =	vand.u32 $0xFFFFFFF0, v32  }
0x180: {  	v3 =	vor.u32 v3, v4  }
0x181: {  	v4 =	vperm.xlane v3, v0;
	_ =	sdelay $0x1  }
0x182: {  	v3 =	vperm.xlane v3, v2;
	v4 =	vadd.s32 v1, v4;
	_ =	sdelay $0x1  }
0x183: {  	v3 =	vadd.s32 v1, v3;
	_ =	sdelay $0x2  }
0x184: {  	[tilespmem:s28], [sflag:$0x1] =	stream.indirect_vreg.gather [hbm4b:s1+s3], $0x80, v4, vm0, $0xb8;
	[tilespmem:$0x10400] =	vst v63  }
0x185: {  	s25 =	simm.s32 $0xC00  }
0x186: {  	[tilespmem:s25], [sflag:$0x1] =	stream.indirect_vreg.gather [hbm4b:s1+s3], $0x80, v3, vm0, $0xb8;
	[tilespmem:$0x10400] =	vst v63  }
0x187: {  	v3 =	vld [tilespmem:$0x210];
	_ =	sdelay $0x4  }
0x188: {  	v33 =	vshll.u32 v3, $0x1  }
0x189: {  	v3 =	vand.u32 $0x7, v3;
	v4 =	vand.u32 $0xFFFFFFF0, v33  }
0x18a: {  	v3 =	vor.u32 v3, v4  }
0x18b: {  	v4 =	vperm.xlane v3, v0;
	_ =	sdelay $0x1  }
0x18c: {  	v3 =	vperm.xlane v3, v2;
	v4 =	vadd.s32 v1, v4;
	_ =	sdelay $0x1  }
0x18d: {  	v3 =	vadd.s32 v1, v3;
	_ =	sdelay $0x1  }
0x18e: {  	s26 =	simm.s32 $0x1400  }
0x18f: {  	[tilespmem:s26], [sflag:$0x1] =	stream.indirect_vreg.gather [hbm4b:s1+s3], $0x80, v4, vm0, $0xb8;
	[tilespmem:$0x10400] =	vst v63  }
0x190: {  	s23 =	simm.s32 $0x1C00  }
0x191: {  	[tilespmem:s23], [sflag:$0x1] =	stream.indirect_vreg.gather [hbm4b:s1+s3], $0x80, v3, vm0, $0xb8;
	[tilespmem:$0x10400] =	vst v63  }
0x192: {  	v3 =	vld [tilespmem:$0x220];
	_ =	sdelay $0x4  }
0x193: {  	v34 =	vshll.u32 v3, $0x1  }
0x194: {  	v3 =	vand.u32 $0x7, v3;
	v4 =	vand.u32 $0xFFFFFFF0, v34  }
0x195: {  	v3 =	vor.u32 v3, v4  }
0x196: {  	v4 =	vperm.xlane v3, v0;
	_ =	sdelay $0x1  }
0x197: {  	v3 =	vperm.xlane v3, v2;
	v4 =	vadd.s32 v1, v4;
	_ =	sdelay $0x1  }
0x198: {  	v3 =	vadd.s32 v1, v3;
	_ =	sdelay $0x2  }
0x199: {  	[tilespmem:s6], [sflag:$0x1] =	stream.indirect_vreg.gather [hbm4b:s1+s3], $0x80, v4, vm0, $0xb8;
	[tilespmem:$0x10400] =	vst v63  }
0x19a: {  	_ = 	snop  }
0x19b: {  	[tilespmem:s9], [sflag:$0x1] =	stream.indirect_vreg.gather [hbm4b:s1+s3], $0x80, v3, vm0, $0xb8;
	[tilespmem:$0x10400] =	vst v63  }
0x19c: {  	v3 =	vld [tilespmem:$0x230];
	_ =	sdelay $0x4  }
0x19d: {  	v35 =	vshll.u32 v3, $0x1  }
0x19e: {  	v3 =	vand.u32 $0x7, v3;
	v4 =	vand.u32 $0xFFFFFFF0, v35  }
0x19f: {  	v3 =	vor.u32 v3, v4  }
0x1a0: {  	v4 =	vperm.xlane v3, v0;
	_ =	sdelay $0x1  }
0x1a1: {  	v3 =	vperm.xlane v3, v2;
	v4 =	vadd.s32 v1, v4;
	_ =	sdelay $0x1  }
0x1a2: {  	v3 =	vadd.s32 v1, v3;
	_ =	sdelay $0x1  }
0x1a3: {  	s25 =	simm.s32 $0x3400  }
0x1a4: {  	[tilespmem:s25], [sflag:$0x1] =	stream.indirect_vreg.gather [hbm4b:s1+s3], $0x80, v4, vm0, $0xb8;
	[tilespmem:$0x10400] =	vst v63  }
0x1a5: {  	s26 =	simm.s32 $0x3C00  }
0x1a6: {  	[tilespmem:s26], [sflag:$0x1] =	stream.indirect_vreg.gather [hbm4b:s1+s3], $0x80, v3, vm0, $0xb8;
	[tilespmem:$0x10400] =	vst v63  }
0x1a7: {  	v3 =	vld [tilespmem:$0x240];
	_ =	sdelay $0x4  }
0x1a8: {  	v36 =	vshll.u32 v3, $0x1  }
0x1a9: {  	v3 =	vand.u32 $0x7, v3;
	v4 =	vand.u32 $0xFFFFFFF0, v36  }
0x1aa: {  	v3 =	vor.u32 v3, v4  }
0x1ab: {  	v4 =	vperm.xlane v3, v0;
	_ =	sdelay $0x1  }
0x1ac: {  	v3 =	vperm.xlane v3, v2;
	v4 =	vadd.s32 v1, v4;
	_ =	sdelay $0x1  }
0x1ad: {  	v3 =	vadd.s32 v1, v3;
	_ =	sdelay $0x2  }
0x1ae: {  	[tilespmem:s10], [sflag:$0x1] =	stream.indirect_vreg.gather [hbm4b:s1+s3], $0x80, v4, vm0, $0xb8;
	[tilespmem:$0x10400] =	vst v63  }
0x1af: {  	_ = 	snop  }
0x1b0: {  	[tilespmem:s11], [sflag:$0x1] =	stream.indirect_vreg.gather [hbm4b:s1+s3], $0x80, v3, vm0, $0xb8;
	[tilespmem:$0x10400] =	vst v63  }
0x1b1: {  	v3 =	vld [tilespmem:$0x250];
	_ =	sdelay $0x4  }
0x1b2: {  	v37 =	vshll.u32 v3, $0x1  }
0x1b3: {  	v3 =	vand.u32 $0x7, v3;
	v4 =	vand.u32 $0xFFFFFFF0, v37  }
0x1b4: {  	v3 =	vor.u32 v3, v4  }
0x1b5: {  	v4 =	vperm.xlane v3, v0;
	_ =	sdelay $0x1  }
0x1b6: {  	v3 =	vperm.xlane v3, v2;
	v4 =	vadd.s32 v1, v4;
	_ =	sdelay $0x1  }
0x1b7: {  	v3 =	vadd.s32 v1, v3;
	_ =	sdelay $0x2  }
0x1b8: {  	[tilespmem:s14], [sflag:$0x1] =	stream.indirect_vreg.gather [hbm4b:s1+s3], $0x80, v4, vm0, $0xb8;
	[tilespmem:$0x10400] =	vst v63  }
0x1b9: {  	_ = 	snop  }
0x1ba: {  	[tilespmem:s15], [sflag:$0x1] =	stream.indirect_vreg.gather [hbm4b:s1+s3], $0x80, v3, vm0, $0xb8;
	[tilespmem:$0x10400] =	vst v63  }
0x1bb: {  	v3 =	vld [tilespmem:$0x260];
	_ =	sdelay $0x4  }
0x1bc: {  	v38 =	vshll.u32 v3, $0x1  }
0x1bd: {  	v3 =	vand.u32 $0x7, v3;
	v4 =	vand.u32 $0xFFFFFFF0, v38  }
0x1be: {  	v3 =	vor.u32 v3, v4  }
0x1bf: {  	v4 =	vperm.xlane v3, v0;
	_ =	sdelay $0x1  }
0x1c0: {  	v3 =	vperm.xlane v3, v2;
	v4 =	vadd.s32 v1, v4;
	_ =	sdelay $0x1  }
0x1c1: {  	v3 =	vadd.s32 v1, v3;
	_ =	sdelay $0x2  }
0x1c2: {  	[tilespmem:s16], [sflag:$0x1] =	stream.indirect_vreg.gather [hbm4b:s1+s3], $0x80, v4, vm0, $0xb8;
	[tilespmem:$0x10400] =	vst v63  }
0x1c3: {  	_ = 	snop  }
0x1c4: {  	[tilespmem:s18], [sflag:$0x1] =	stream.indirect_vreg.gather [hbm4b:s1+s3], $0x80, v3, vm0, $0xb8;
	[tilespmem:$0x10400] =	vst v63  }
0x1c5: {  	v3 =	vld [tilespmem:$0x270];
	_ =	sdelay $0x4  }
0x1c6: {  	v39 =	vshll.u32 v3, $0x1  }
0x1c7: {  	v3 =	vand.u32 $0x7, v3;
	v4 =	vand.u32 $0xFFFFFFF0, v39  }
0x1c8: {  	v3 =	vor.u32 v3, v4  }
0x1c9: {  	v4 =	vperm.xlane v3, v0;
	_ =	sdelay $0x1  }
0x1ca: {  	v3 =	vperm.xlane v3, v2;
	v4 =	vadd.s32 v1, v4;
	_ =	sdelay $0x1  }
0x1cb: {  	v3 =	vadd.s32 v1, v3;
	_ =	sdelay $0x2  }
0x1cc: {  	[tilespmem:s19], [sflag:$0x1] =	stream.indirect_vreg.gather [hbm4b:s1+s3], $0x80, v4, vm0, $0xb8;
	[tilespmem:$0x10400] =	vst v63  }
0x1cd: {  	_ = 	snop  }
0x1ce: {  	[tilespmem:s20], [sflag:$0x1] =	stream.indirect_vreg.gather [hbm4b:s1+s3], $0x80, v3, vm0, $0xb8;
	[tilespmem:$0x10400] =	vst v63  }
0x1cf: {  	v3 =	vld [tilespmem:$0x280];
	_ =	sdelay $0x4  }
0x1d0: {  	v40 =	vshll.u32 v3, $0x1  }
0x1d1: {  	v3 =	vand.u32 $0x7, v3;
	v4 =	vand.u32 $0xFFFFFFF0, v40  }
0x1d2: {  	v3 =	vor.u32 v3, v4  }
0x1d3: {  	v4 =	vperm.xlane v3, v0;
	_ =	sdelay $0x1  }
0x1d4: {  	v3 =	vperm.xlane v3, v2;
	v4 =	vadd.s32 v1, v4;
	_ =	sdelay $0x1  }
0x1d5: {  	v3 =	vadd.s32 v1, v3;
	_ =	sdelay $0x2  }
0x1d6: {  	[tilespmem:s21], [sflag:$0x1] =	stream.indirect_vreg.gather [hbm4b:s1+s3], $0x80, v4, vm0, $0xb8;
	[tilespmem:$0x10400] =	vst v63  }
0x1d7: {  	_ = 	snop  }
0x1d8: {  	[tilespmem:s22], [sflag:$0x1] =	stream.indirect_vreg.gather [hbm4b:s1+s3], $0x80, v3, vm0, $0xb8;
	[tilespmem:$0x10400] =	vst v63  }
0x1d9: {  	v3 =	vld [tilespmem:$0x290];
	_ =	sdelay $0x4  }
0x1da: {  	v41 =	vshll.u32 v3, $0x1  }
0x1db: {  	v3 =	vand.u32 $0x7, v3;
	v4 =	vand.u32 $0xFFFFFFF0, v41  }
0x1dc: {  	v3 =	vor.u32 v3, v4  }
0x1dd: {  	v4 =	vperm.xlane v3, v0;
	_ =	sdelay $0x1  }
0x1de: {  	v3 =	vperm.xlane v3, v2;
	v4 =	vadd.s32 v1, v4;
	_ =	sdelay $0x1  }
0x1df: {  	v3 =	vadd.s32 v1, v3;
	_ =	sdelay $0x2  }
0x1e0: {  	[tilespmem:s0], [sflag:$0x1] =	stream.indirect_vreg.gather [hbm4b:s1+s3], $0x80, v4, vm0, $0xb8;
	[tilespmem:$0x10400] =	vst v63  }
0x1e1: {  	_ = 	snop  }
0x1e2: {  	[tilespmem:s7], [sflag:$0x1] =	stream.indirect_vreg.gather [hbm4b:s1+s3], $0x80, v3, vm0, $0xb8;
	[tilespmem:$0x10400] =	vst v63  }
0x1e3: {  	v3 =	vld [tilespmem:$0x2A0];
	_ =	sdelay $0x4  }
0x1e4: {  	v42 =	vshll.u32 v3, $0x1  }
0x1e5: {  	v3 =	vand.u32 $0x7, v3;
	v4 =	vand.u32 $0xFFFFFFF0, v42  }
0x1e6: {  	v3 =	vor.u32 v3, v4  }
0x1e7: {  	v4 =	vperm.xlane v3, v0;
	_ =	sdelay $0x1  }
0x1e8: {  	v3 =	vperm.xlane v3, v2;
	v4 =	vadd.s32 v1, v4;
	_ =	sdelay $0x1  }
0x1e9: {  	v3 =	vadd.s32 v1, v3;
	_ =	sdelay $0x2  }
0x1ea: {  	[tilespmem:s2], [sflag:$0x1] =	stream.indirect_vreg.gather [hbm4b:s1+s3], $0x80, v4, vm0, $0xb8;
	[tilespmem:$0x10400] =	vst v63  }
0x1eb: {  	_ = 	snop  }
0x1ec: {  	[tilespmem:s8], [sflag:$0x1] =	stream.indirect_vreg.gather [hbm4b:s1+s3], $0x80, v3, vm0, $0xb8;
	[tilespmem:$0x10400] =	vst v63  }
0x1ed: {  	v3 =	vld [tilespmem:$0x2B0];
	_ =	sdelay $0x4  }
0x1ee: {  	v43 =	vshll.u32 v3, $0x1  }
0x1ef: {  	v3 =	vand.u32 $0x7, v3;
	v4 =	vand.u32 $0xFFFFFFF0, v43  }
0x1f0: {  	v3 =	vor.u32 v3, v4  }
0x1f1: {  	v4 =	vperm.xlane v3, v0;
	_ =	sdelay $0x1  }
0x1f2: {  	v3 =	vperm.xlane v3, v2;
	v4 =	vadd.s32 v1, v4;
	_ =	sdelay $0x1  }
0x1f3: {  	v3 =	vadd.s32 v1, v3;
	_ =	sdelay $0x1  }
0x1f4: {  	s29 =	simm.s32 $0xB400  }
0x1f5: {  	[tilespmem:s29], [sflag:$0x1] =	stream.indirect_vreg.gather [hbm4b:s1+s3], $0x80, v4, vm0, $0xb8;
	[tilespmem:$0x10400] =	vst v63  }
0x1f6: {  	_ = 	snop  }
0x1f7: {  	[tilespmem:s17], [sflag:$0x1] =	stream.indirect_vreg.gather [hbm4b:s1+s3], $0x80, v3, vm0, $0xb8;
	[tilespmem:$0x10400] =	vst v63  }
0x1f8: {  	v3 =	vld [tilespmem:$0x2C0];
	_ =	sdelay $0x4  }
0x1f9: {  	v44 =	vshll.u32 v3, $0x1  }
0x1fa: {  	v3 =	vand.u32 $0x7, v3;
	v4 =	vand.u32 $0xFFFFFFF0, v44  }
0x1fb: {  	v3 =	vor.u32 v3, v4  }
0x1fc: {  	v4 =	vperm.xlane v3, v0;
	_ =	sdelay $0x1  }
0x1fd: {  	v3 =	vperm.xlane v3, v2;
	v4 =	vadd.s32 v1, v4;
	_ =	sdelay $0x1  }
0x1fe: {  	v3 =	vadd.s32 v1, v3;
	_ =	sdelay $0x1  }
0x1ff: {  	s29 =	simm.s32 $0xC400  }
0x200: {  	[tilespmem:s29], [sflag:$0x1] =	stream.indirect_vreg.gather [hbm4b:s1+s3], $0x80, v4, vm0, $0xb8;
	[tilespmem:$0x10400] =	vst v63  }
0x201: {  	s30 =	simm.s32 $0xCC00  }
0x202: {  	[tilespmem:s30], [sflag:$0x1] =	stream.indirect_vreg.gather [hbm4b:s1+s3], $0x80, v3, vm0, $0xb8;
	[tilespmem:$0x10400] =	vst v63  }
0x203: {  	v3 =	vld [tilespmem:$0x2D0];
	_ =	sdelay $0x4  }
0x204: {  	v45 =	vshll.u32 v3, $0x1  }
0x205: {  	v3 =	vand.u32 $0x7, v3;
	v4 =	vand.u32 $0xFFFFFFF0, v45  }
0x206: {  	v3 =	vor.u32 v3, v4  }
0x207: {  	v4 =	vperm.xlane v3, v0;
	_ =	sdelay $0x1  }
0x208: {  	v3 =	vperm.xlane v3, v2;
	v4 =	vadd.s32 v1, v4;
	_ =	sdelay $0x1  }
0x209: {  	v3 =	vadd.s32 v1, v3;
	_ =	sdelay $0x1  }
0x20a: {  	s31 =	simm.s32 $0xD400  }
0x20b: {  	[tilespmem:s31], [sflag:$0x1] =	stream.indirect_vreg.gather [hbm4b:s1+s3], $0x80, v4, vm0, $0xb8;
	[tilespmem:$0x10400] =	vst v63  }
0x20c: {  	s17 =	simm.s32 $0xDC00  }
0x20d: {  	[tilespmem:s17], [sflag:$0x1] =	stream.indirect_vreg.gather [hbm4b:s1+s3], $0x80, v3, vm0, $0xb8;
	[tilespmem:$0x10400] =	vst v63  }
0x20e: {  	v3 =	vld [tilespmem:$0x2E0];
	_ =	sdelay $0x4  }
0x20f: {  	v46 =	vshll.u32 v3, $0x1  }
0x210: {  	v3 =	vand.u32 $0x7, v3;
	v4 =	vand.u32 $0xFFFFFFF0, v46  }
0x211: {  	v3 =	vor.u32 v3, v4  }
0x212: {  	v4 =	vperm.xlane v3, v0;
	_ =	sdelay $0x1  }
0x213: {  	v3 =	vperm.xlane v3, v2;
	v4 =	vadd.s32 v1, v4;
	_ =	sdelay $0x1  }
0x214: {  	v3 =	vadd.s32 v1, v3;
	_ =	sdelay $0x1  }
0x215: {  	s31 =	simm.s32 $0xE400  }
0x216: {  	[tilespmem:s31], [sflag:$0x1] =	stream.indirect_vreg.gather [hbm4b:s1+s3], $0x80, v4, vm0, $0xb8;
	[tilespmem:$0x10400] =	vst v63  }
0x217: {  	s17 =	simm.s32 $0xEC00  }
0x218: {  	[tilespmem:s17], [sflag:$0x1] =	stream.indirect_vreg.gather [hbm4b:s1+s3], $0x80, v3, vm0, $0xb8;
	[tilespmem:$0x10400] =	vst v63  }
0x219: {  	v3 =	vld [tilespmem:$0x2F0];
	_ =	sdelay $0x4  }
0x21a: {  	v47 =	vshll.u32 v3, $0x1  }
0x21b: {  	v3 =	vand.u32 $0x7, v3;
	v4 =	vand.u32 $0xFFFFFFF0, v47  }
0x21c: {  	v3 =	vor.u32 v3, v4  }
0x21d: {  	v4 =	vperm.xlane v3, v0;
	_ =	sdelay $0x1  }
0x21e: {  	v3 =	vperm.xlane v3, v2;
	v4 =	vadd.s32 v1, v4;
	_ =	sdelay $0x1  }
0x21f: {  	v3 =	vadd.s32 v1, v3;
	_ =	sdelay $0x1  }
0x220: {  	s24 =	simm.s32 $0xF400  }
0x221: {  	[tilespmem:s24], [sflag:$0x1] =	stream.indirect_vreg.gather [hbm4b:s1+s3], $0x80, v4, vm0, $0xb8;
	[tilespmem:$0x10400] =	vst v63  }
0x222: {  	s24 =	simm.s32 $0xFC00  }
0x223: {  	[tilespmem:s24], [sflag:$0x1] =	stream.indirect_vreg.gather [hbm4b:s1+s3], $0x80, v3, vm0, $0xb8;
	[tilespmem:$0x10400] =	vst v63  }
0x224: {  	_ =	swait.ge [sflag:s12], $0x10000  }
0x225: {  	[sflag:s12] =	ssyncset.done $0x0  }
0x226: {  	s13 =	rddreg [dreg:$0x7];
	[sflag:s12] =	ssyncadd.s32 $0xFFFF0000  }
0x227: {  	[hbm4b:s13+s3] =	stream.linear.scatter [tilespmem:s28], [sflag:$0x2], $0x10000, $0x38;
	[tilespmem:$0x10400] =	vst v63  }
0x228: {  	_ =	swait.ge [sflag:s5], $0x10000  }
0x229: {  	[sflag:s5] =	ssyncset.done $0x0  }
0x22a: {  	[sflag:s5] =	ssyncadd.s32 $0xFFFF0000  }
0x22b: {  	v3 =	vld [tilespmem:$0x300];
	_ =	sdelay $0x4  }
0x22c: {  	v48 =	vshll.u32 v3, $0x1  }
0x22d: {  	v3 =	vand.u32 $0x7, v3;
	v4 =	vand.u32 $0xFFFFFFF0, v48  }
0x22e: {  	v3 =	vor.u32 v3, v4  }
0x22f: {  	v4 =	vperm.xlane v3, v0;
	_ =	sdelay $0x1  }
0x230: {  	v3 =	vperm.xlane v3, v2;
	v4 =	vadd.s32 v1, v4;
	_ =	sdelay $0x1  }
0x231: {  	v3 =	vadd.s32 v1, v3;
	_ =	sdelay $0x2  }
0x232: {  	[tilespmem:s28], [sflag:$0x1] =	stream.indirect_vreg.gather [hbm4b:s1+s3], $0x80, v4, vm0, $0xb8;
	[tilespmem:$0x10400] =	vst v63  }
0x233: {  	s13 =	simm.s32 $0xC00  }
0x234: {  	[tilespmem:s13], [sflag:$0x1] =	stream.indirect_vreg.gather [hbm4b:s1+s3], $0x80, v3, vm0, $0xb8;
	[tilespmem:$0x10400] =	vst v63  }
0x235: {  	v3 =	vld [tilespmem:$0x310];
	_ =	sdelay $0x4  }
0x236: {  	v49 =	vshll.u32 v3, $0x1  }
0x237: {  	v3 =	vand.u32 $0x7, v3;
	v4 =	vand.u32 $0xFFFFFFF0, v49  }
0x238: {  	v3 =	vor.u32 v3, v4  }
0x239: {  	v4 =	vperm.xlane v3, v0;
	_ =	sdelay $0x1  }
0x23a: {  	v3 =	vperm.xlane v3, v2;
	v4 =	vadd.s32 v1, v4;
	_ =	sdelay $0x1  }
0x23b: {  	v3 =	vadd.s32 v1, v3;
	_ =	sdelay $0x1  }
0x23c: {  	s13 =	simm.s32 $0x1400  }
0x23d: {  	[tilespmem:s13], [sflag:$0x1] =	stream.indirect_vreg.gather [hbm4b:s1+s3], $0x80, v4, vm0, $0xb8;
	[tilespmem:$0x10400] =	vst v63  }
0x23e: {  	s13 =	simm.s32 $0x1C00  }
0x23f: {  	[tilespmem:s13], [sflag:$0x1] =	stream.indirect_vreg.gather [hbm4b:s1+s3], $0x80, v3, vm0, $0xb8;
	[tilespmem:$0x10400] =	vst v63  }
0x240: {  	v3 =	vld [tilespmem:$0x320];
	_ =	sdelay $0x4  }
0x241: {  	v50 =	vshll.u32 v3, $0x1  }
0x242: {  	v3 =	vand.u32 $0x7, v3;
	v4 =	vand.u32 $0xFFFFFFF0, v50  }
0x243: {  	v3 =	vor.u32 v3, v4  }
0x244: {  	v4 =	vperm.xlane v3, v0;
	_ =	sdelay $0x1  }
0x245: {  	v3 =	vperm.xlane v3, v2;
	v4 =	vadd.s32 v1, v4;
	_ =	sdelay $0x1  }
0x246: {  	v3 =	vadd.s32 v1, v3;
	_ =	sdelay $0x1  }
0x247: {  	s6 =	simm.s32 $0x2400  }
0x248: {  	[tilespmem:s6], [sflag:$0x1] =	stream.indirect_vreg.gather [hbm4b:s1+s3], $0x80, v4, vm0, $0xb8;
	[tilespmem:$0x10400] =	vst v63  }
0x249: {  	s9 =	simm.s32 $0x2C00  }
0x24a: {  	[tilespmem:s9], [sflag:$0x1] =	stream.indirect_vreg.gather [hbm4b:s1+s3], $0x80, v3, vm0, $0xb8;
	[tilespmem:$0x10400] =	vst v63  }
0x24b: {  	v3 =	vld [tilespmem:$0x330];
	_ =	sdelay $0x4  }
0x24c: {  	v51 =	vshll.u32 v3, $0x1  }
0x24d: {  	v3 =	vand.u32 $0x7, v3;
	v4 =	vand.u32 $0xFFFFFFF0, v51  }
0x24e: {  	v3 =	vor.u32 v3, v4  }
0x24f: {  	v4 =	vperm.xlane v3, v0;
	_ =	sdelay $0x1  }
0x250: {  	v3 =	vperm.xlane v3, v2;
	v4 =	vadd.s32 v1, v4;
	_ =	sdelay $0x1  }
0x251: {  	v3 =	vadd.s32 v1, v3;
	_ =	sdelay $0x1  }
0x252: {  	s9 =	simm.s32 $0x3400  }
0x253: {  	[tilespmem:s9], [sflag:$0x1] =	stream.indirect_vreg.gather [hbm4b:s1+s3], $0x80, v4, vm0, $0xb8;
	[tilespmem:$0x10400] =	vst v63  }
0x254: {  	s13 =	simm.s32 $0x3C00  }
0x255: {  	[tilespmem:s13], [sflag:$0x1] =	stream.indirect_vreg.gather [hbm4b:s1+s3], $0x80, v3, vm0, $0xb8;
	[tilespmem:$0x10400] =	vst v63  }
0x256: {  	v3 =	vld [tilespmem:$0x340];
	_ =	sdelay $0x4  }
0x257: {  	v52 =	vshll.u32 v3, $0x1  }
0x258: {  	v3 =	vand.u32 $0x7, v3;
	v4 =	vand.u32 $0xFFFFFFF0, v52  }
0x259: {  	v3 =	vor.u32 v3, v4  }
0x25a: {  	v4 =	vperm.xlane v3, v0;
	_ =	sdelay $0x1  }
0x25b: {  	v3 =	vperm.xlane v3, v2;
	v4 =	vadd.s32 v1, v4;
	_ =	sdelay $0x1  }
0x25c: {  	v3 =	vadd.s32 v1, v3;
	_ =	sdelay $0x1  }
0x25d: {  	s26 =	simm.s32 $0x4400  }
0x25e: {  	[tilespmem:s26], [sflag:$0x1] =	stream.indirect_vreg.gather [hbm4b:s1+s3], $0x80, v4, vm0, $0xb8;
	[tilespmem:$0x10400] =	vst v63  }
0x25f: {  	s11 =	simm.s32 $0x4C00  }
0x260: {  	[tilespmem:s11], [sflag:$0x1] =	stream.indirect_vreg.gather [hbm4b:s1+s3], $0x80, v3, vm0, $0xb8;
	[tilespmem:$0x10400] =	vst v63  }
0x261: {  	v3 =	vld [tilespmem:$0x350];
	_ =	sdelay $0x4  }
0x262: {  	v53 =	vshll.u32 v3, $0x1  }
0x263: {  	v3 =	vand.u32 $0x7, v3;
	v4 =	vand.u32 $0xFFFFFFF0, v53  }
0x264: {  	v3 =	vor.u32 v3, v4  }
0x265: {  	v4 =	vperm.xlane v3, v0;
	_ =	sdelay $0x1  }
0x266: {  	v3 =	vperm.xlane v3, v2;
	v4 =	vadd.s32 v1, v4;
	_ =	sdelay $0x1  }
0x267: {  	v3 =	vadd.s32 v1, v3;
	_ =	sdelay $0x1  }
0x268: {  	s14 =	simm.s32 $0x5400  }
0x269: {  	[tilespmem:s14], [sflag:$0x1] =	stream.indirect_vreg.gather [hbm4b:s1+s3], $0x80, v4, vm0, $0xb8;
	[tilespmem:$0x10400] =	vst v63  }
0x26a: {  	s15 =	simm.s32 $0x5C00  }
0x26b: {  	[tilespmem:s15], [sflag:$0x1] =	stream.indirect_vreg.gather [hbm4b:s1+s3], $0x80, v3, vm0, $0xb8;
	[tilespmem:$0x10400] =	vst v63  }
0x26c: {  	v3 =	vld [tilespmem:$0x360];
	_ =	sdelay $0x4  }
0x26d: {  	v54 =	vshll.u32 v3, $0x1  }
0x26e: {  	v3 =	vand.u32 $0x7, v3;
	v4 =	vand.u32 $0xFFFFFFF0, v54  }
0x26f: {  	v3 =	vor.u32 v3, v4  }
0x270: {  	v4 =	vperm.xlane v3, v0;
	_ =	sdelay $0x1  }
0x271: {  	v3 =	vperm.xlane v3, v2;
	v4 =	vadd.s32 v1, v4;
	_ =	sdelay $0x1  }
0x272: {  	v3 =	vadd.s32 v1, v3;
	_ =	sdelay $0x1  }
0x273: {  	s16 =	simm.s32 $0x6400  }
0x274: {  	[tilespmem:s16], [sflag:$0x1] =	stream.indirect_vreg.gather [hbm4b:s1+s3], $0x80, v4, vm0, $0xb8;
	[tilespmem:$0x10400] =	vst v63  }
0x275: {  	s18 =	simm.s32 $0x6C00  }
0x276: {  	[tilespmem:s18], [sflag:$0x1] =	stream.indirect_vreg.gather [hbm4b:s1+s3], $0x80, v3, vm0, $0xb8;
	[tilespmem:$0x10400] =	vst v63  }
0x277: {  	v3 =	vld [tilespmem:$0x370];
	_ =	sdelay $0x4  }
0x278: {  	v55 =	vshll.u32 v3, $0x1  }
0x279: {  	v3 =	vand.u32 $0x7, v3;
	v4 =	vand.u32 $0xFFFFFFF0, v55  }
0x27a: {  	v3 =	vor.u32 v3, v4  }
0x27b: {  	v4 =	vperm.xlane v3, v0;
	_ =	sdelay $0x1  }
0x27c: {  	v3 =	vperm.xlane v3, v2;
	v4 =	vadd.s32 v1, v4;
	_ =	sdelay $0x1  }
0x27d: {  	v3 =	vadd.s32 v1, v3;
	_ =	sdelay $0x1  }
0x27e: {  	s19 =	simm.s32 $0x7400  }
0x27f: {  	[tilespmem:s19], [sflag:$0x1] =	stream.indirect_vreg.gather [hbm4b:s1+s3], $0x80, v4, vm0, $0xb8;
	[tilespmem:$0x10400] =	vst v63  }
0x280: {  	s20 =	simm.s32 $0x7C00  }
0x281: {  	[tilespmem:s20], [sflag:$0x1] =	stream.indirect_vreg.gather [hbm4b:s1+s3], $0x80, v3, vm0, $0xb8;
	[tilespmem:$0x10400] =	vst v63  }
0x282: {  	v3 =	vld [tilespmem:$0x380];
	_ =	sdelay $0x4  }
0x283: {  	v56 =	vshll.u32 v3, $0x1  }
0x284: {  	v3 =	vand.u32 $0x7, v3;
	v4 =	vand.u32 $0xFFFFFFF0, v56  }
0x285: {  	v3 =	vor.u32 v3, v4  }
0x286: {  	v4 =	vperm.xlane v3, v0;
	_ =	sdelay $0x1  }
0x287: {  	v3 =	vperm.xlane v3, v2;
	v4 =	vadd.s32 v1, v4;
	_ =	sdelay $0x1  }
0x288: {  	v3 =	vadd.s32 v1, v3;
	_ =	sdelay $0x1  }
0x289: {  	s21 =	simm.s32 $0x8400  }
0x28a: {  	[tilespmem:s21], [sflag:$0x1] =	stream.indirect_vreg.gather [hbm4b:s1+s3], $0x80, v4, vm0, $0xb8;
	[tilespmem:$0x10400] =	vst v63  }
0x28b: {  	s22 =	simm.s32 $0x8C00  }
0x28c: {  	[tilespmem:s22], [sflag:$0x1] =	stream.indirect_vreg.gather [hbm4b:s1+s3], $0x80, v3, vm0, $0xb8;
	[tilespmem:$0x10400] =	vst v63  }
0x28d: {  	v3 =	vld [tilespmem:$0x390];
	_ =	sdelay $0x4  }
0x28e: {  	v57 =	vshll.u32 v3, $0x1  }
0x28f: {  	v3 =	vand.u32 $0x7, v3;
	v4 =	vand.u32 $0xFFFFFFF0, v57  }
0x290: {  	v3 =	vor.u32 v3, v4  }
0x291: {  	v4 =	vperm.xlane v3, v0;
	_ =	sdelay $0x1  }
0x292: {  	v3 =	vperm.xlane v3, v2;
	v4 =	vadd.s32 v1, v4;
	_ =	sdelay $0x1  }
0x293: {  	v3 =	vadd.s32 v1, v3;
	_ =	sdelay $0x1  }
0x294: {  	s0 =	simm.s32 $0x9400  }
0x295: {  	[tilespmem:s0], [sflag:$0x1] =	stream.indirect_vreg.gather [hbm4b:s1+s3], $0x80, v4, vm0, $0xb8;
	[tilespmem:$0x10400] =	vst v63  }
0x296: {  	s7 =	simm.s32 $0x9C00  }
0x297: {  	[tilespmem:s7], [sflag:$0x1] =	stream.indirect_vreg.gather [hbm4b:s1+s3], $0x80, v3, vm0, $0xb8;
	[tilespmem:$0x10400] =	vst v63  }
0x298: {  	v3 =	vld [tilespmem:$0x3A0];
	_ =	sdelay $0x4  }
0x299: {  	v58 =	vshll.u32 v3, $0x1  }
0x29a: {  	v3 =	vand.u32 $0x7, v3;
	v4 =	vand.u32 $0xFFFFFFF0, v58  }
0x29b: {  	v3 =	vor.u32 v3, v4  }
0x29c: {  	v4 =	vperm.xlane v3, v0;
	_ =	sdelay $0x1  }
0x29d: {  	v3 =	vperm.xlane v3, v2;
	v4 =	vadd.s32 v1, v4;
	_ =	sdelay $0x1  }
0x29e: {  	v3 =	vadd.s32 v1, v3;
	_ =	sdelay $0x1  }
0x29f: {  	s2 =	simm.s32 $0xA400  }
0x2a0: {  	[tilespmem:s2], [sflag:$0x1] =	stream.indirect_vreg.gather [hbm4b:s1+s3], $0x80, v4, vm0, $0xb8;
	[tilespmem:$0x10400] =	vst v63  }
0x2a1: {  	s8 =	simm.s32 $0xAC00  }
0x2a2: {  	[tilespmem:s8], [sflag:$0x1] =	stream.indirect_vreg.gather [hbm4b:s1+s3], $0x80, v3, vm0, $0xb8;
	[tilespmem:$0x10400] =	vst v63  }
0x2a3: {  	v3 =	vld [tilespmem:$0x3B0];
	_ =	sdelay $0x4  }
0x2a4: {  	v59 =	vshll.u32 v3, $0x1  }
0x2a5: {  	v3 =	vand.u32 $0x7, v3;
	v4 =	vand.u32 $0xFFFFFFF0, v59  }
0x2a6: {  	v3 =	vor.u32 v3, v4  }
0x2a7: {  	v4 =	vperm.xlane v3, v0;
	_ =	sdelay $0x1  }
0x2a8: {  	v3 =	vperm.xlane v3, v2;
	v4 =	vadd.s32 v1, v4;
	_ =	sdelay $0x1  }
0x2a9: {  	v3 =	vadd.s32 v1, v3;
	_ =	sdelay $0x1  }
0x2aa: {  	s23 =	simm.s32 $0xB400  }
0x2ab: {  	[tilespmem:s23], [sflag:$0x1] =	stream.indirect_vreg.gather [hbm4b:s1+s3], $0x80, v4, vm0, $0xb8;
	[tilespmem:$0x10400] =	vst v63  }
0x2ac: {  	s10 =	simm.s32 $0xBC00  }
0x2ad: {  	[tilespmem:s10], [sflag:$0x1] =	stream.indirect_vreg.gather [hbm4b:s1+s3], $0x80, v3, vm0, $0xb8;
	[tilespmem:$0x10400] =	vst v63  }
0x2ae: {  	v3 =	vld [tilespmem:$0x3C0];
	_ =	sdelay $0x4  }
0x2af: {  	v60 =	vshll.u32 v3, $0x1  }
0x2b0: {  	v3 =	vand.u32 $0x7, v3;
	v4 =	vand.u32 $0xFFFFFFF0, v60  }
0x2b1: {  	v3 =	vor.u32 v3, v4  }
0x2b2: {  	v4 =	vperm.xlane v3, v0;
	_ =	sdelay $0x1  }
0x2b3: {  	v3 =	vperm.xlane v3, v2;
	v4 =	vadd.s32 v1, v4;
	_ =	sdelay $0x1  }
0x2b4: {  	v3 =	vadd.s32 v1, v3;
	_ =	sdelay $0x1  }
0x2b5: {  	s25 =	simm.s32 $0xC400  }
0x2b6: {  	[tilespmem:s25], [sflag:$0x1] =	stream.indirect_vreg.gather [hbm4b:s1+s3], $0x80, v4, vm0, $0xb8;
	[tilespmem:$0x10400] =	vst v63  }
0x2b7: {  	s29 =	simm.s32 $0xCC00  }
0x2b8: {  	[tilespmem:s29], [sflag:$0x1] =	stream.indirect_vreg.gather [hbm4b:s1+s3], $0x80, v3, vm0, $0xb8;
	[tilespmem:$0x10400] =	vst v63  }
0x2b9: {  	v3 =	vld [tilespmem:$0x3D0];
	_ =	sdelay $0x4  }
0x2ba: {  	v61 =	vshll.u32 v3, $0x1  }
0x2bb: {  	v3 =	vand.u32 $0x7, v3;
	v4 =	vand.u32 $0xFFFFFFF0, v61  }
0x2bc: {  	v3 =	vor.u32 v3, v4  }
0x2bd: {  	v4 =	vperm.xlane v3, v0;
	_ =	sdelay $0x1  }
0x2be: {  	v3 =	vperm.xlane v3, v2;
	v4 =	vadd.s32 v1, v4;
	_ =	sdelay $0x1  }
0x2bf: {  	v3 =	vadd.s32 v1, v3;
	_ =	sdelay $0x1  }
0x2c0: {  	s30 =	simm.s32 $0xD400  }
0x2c1: {  	[tilespmem:s30], [sflag:$0x1] =	stream.indirect_vreg.gather [hbm4b:s1+s3], $0x80, v4, vm0, $0xb8;
	[tilespmem:$0x10400] =	vst v63  }
0x2c2: {  	s29 =	simm.s32 $0xDC00  }
0x2c3: {  	[tilespmem:s29], [sflag:$0x1] =	stream.indirect_vreg.gather [hbm4b:s1+s3], $0x80, v3, vm0, $0xb8;
	[tilespmem:$0x10400] =	vst v63  }
0x2c4: {  	v3 =	vld [tilespmem:$0x3E0];
	_ =	sdelay $0x4  }
0x2c5: {  	v62 =	vshll.u32 v3, $0x1  }
0x2c6: {  	v3 =	vand.u32 $0x7, v3;
	v4 =	vand.u32 $0xFFFFFFF0, v62  }
0x2c7: {  	v3 =	vor.u32 v3, v4  }
0x2c8: {  	v4 =	vperm.xlane v3, v0;
	_ =	sdelay $0x1  }
0x2c9: {  	v3 =	vperm.xlane v3, v2;
	v4 =	vadd.s32 v1, v4;
	_ =	sdelay $0x1  }
0x2ca: {  	v3 =	vadd.s32 v1, v3;
	_ =	sdelay $0x1  }
0x2cb: {  	s31 =	simm.s32 $0xE400  }
0x2cc: {  	[tilespmem:s31], [sflag:$0x1] =	stream.indirect_vreg.gather [hbm4b:s1+s3], $0x80, v4, vm0, $0xb8;
	[tilespmem:$0x10400] =	vst v63  }
0x2cd: {  	s30 =	simm.s32 $0xEC00  }
0x2ce: {  	[tilespmem:s30], [sflag:$0x1] =	stream.indirect_vreg.gather [hbm4b:s1+s3], $0x80, v3, vm0, $0xb8;
	[tilespmem:$0x10400] =	vst v63  }
0x2cf: {  	v3 =	vld [tilespmem:$0x3F0];
	_ =	sdelay $0x4  }
0x2d0: {  	v63 =	vshll.u32 v3, $0x1  }
0x2d1: {  	v3 =	vand.u32 $0x7, v3;
	v4 =	vand.u32 $0xFFFFFFF0, v63  }
0x2d2: {  	v3 =	vor.u32 v3, v4  }
0x2d3: {  	v4 =	vperm.xlane v3, v0;
	_ =	sdelay $0x1  }
0x2d4: {  	v3 =	vperm.xlane v3, v2;
	v4 =	vadd.s32 v1, v4;
	_ =	sdelay $0x1  }
0x2d5: {  	v3 =	vadd.s32 v1, v3;
	_ =	sdelay $0x1  }
0x2d6: {  	s17 =	simm.s32 $0xF400  }
0x2d7: {  	[tilespmem:s17], [sflag:$0x1] =	stream.indirect_vreg.gather [hbm4b:s1+s3], $0x80, v4, vm0, $0xb8;
	[tilespmem:$0x10400] =	vst v63  }
0x2d8: {  	s24 =	simm.s32 $0xFC00  }
0x2d9: {  	[tilespmem:s24], [sflag:$0x1] =	stream.indirect_vreg.gather [hbm4b:s1+s3], $0x80, v3, vm0, $0xb8;
	[tilespmem:$0x10400] =	vst v63  }
0x2da: {  	_ =	swait.ge [sflag:s12], $0x10000  }
0x2db: {  	p0 =	sne.s32 s4, $0x1;
	[sflag:s12] =	ssyncset.done $0x0  }
.Ltmp0:
0x2dc: {  	s31 =	rddreg [dreg:$0x8];
	[sflag:s12] =	ssyncadd.s32 $0xFFFF0000;
	(pc) =	sbr.rel @p0 .LBB2_1-.Ltmp0, $4  }
0x2dd: {  	[hbm4b:s31+s3] =	stream.linear.scatter [tilespmem:s28], [sflag:$0x2], $0x10000, $0x38;
	[tilespmem:$0x10400] =	vst v63  }
0x2de: {  	_ =	swait.ge [sflag:s5], $0x10000  }
0x2df: {  	[sflag:s5] =	ssyncset.done $0x0  }
0x2e0: {  	s4 =	sadd.s32 $0xFFFFFFFF, s4;
	[sflag:s5] =	ssyncadd.s32 $0xFFFF0000  }
0x2e1: {  	_ =	sfence.sel $0x180000  }
0x2e2: {  	[bflag:$0x0] =	sbarrier.arrive $0xFFFF  }
0x2e3: {  	_ =	strace $0x90000047  }
0x2e4: {  	s0 =	stileid.u32;
	[bflag:$0x2] =	sbarrier.arrive $0xFFFF  }
0x2e5: {  	p0 =	sne.s32 s0, $0x0;
	s0 =	rddreg [dreg:$0x3]  }
0x2e6: {  	s0 =	sadd.s32 @!p0 $0x100000, s0  }
0x2e7: {  	[sflag:s0] =	ssyncadd.tile.s32 @!p0 $0x1;
	_ =	shalt  }
.Lfunc_end2:
_tile_overlayer_lowered:
.L_overlay_start_2:
0x2e8: {  	(tag) =	ssettag $0x2  }
0x2e9: {  	s0 =	rddreg [dreg:$0x0];
	s2 =	stileid.u32  }
0x2ea: {  	s1 =	rddreg [dreg:$0x1];
	p0 =	sne.s32 s2, $0x0  }
0x2eb: {  	s3 =	rddreg [dreg:$0x2];
	[bflag:$0x3] =	sbarrier.arrive $0xFFFF;
	s2 =	simm.s32 @!p0 $0x1C02  }
0x2ec: {  	[timem:s3], [sflag:s2] =	dma.local @!p0 [hbm:s0], s1  }
0x2ed: {  	s0 =	simm.s32 @!p0 $0x2  }
0x2ee: {  	_ =	swait.ge @!p0 [sflag:s0], s1  }
0x2ef: {  	s1 =	ssub.s32 @!p0 $0x0, s1;
	[sflag:s0] =	ssyncset.done @!p0 $0x0  }
0x2f0: {  	[sflag:s0] =	ssyncadd.s32 @!p0 s1  }
0x2f1: {  	[bflag:$0x3] =	sbarrier.arrive $0xFFFF  }
0x2f2: {  	_ =	shalt  }

</sc_bundles>
